<compile_context>
chip_gen: v7x
topology: tpu7x:2x2x1
jax: 0.10.2.dev20260603
libtpu: 0.0.44.dev20260713+nightly
codegen_flags: <defaults>
</compile_context>

<pallas_src>
import functools

import jax
import jax.numpy as jnp
from jax import lax
from jax.experimental import pallas as pl
from jax.experimental.pallas import tpu as pltpu
from jax.experimental.pallas import tpu_sc as plsc

_EPSILON = 1e-08
_BATCH = 16384
_NC = 2
_NS = 16
_NW = _NC * _NS
_BPW = _BATCH // _NW
_L = 16


@functools.partial(
    pl.kernel,
    mesh=plsc.VectorSubcoreMesh(core_axis_name="c", subcore_axis_name="s"),
    out_type=[
        jax.ShapeDtypeStruct((_BATCH,), jnp.float32),
        jax.ShapeDtypeStruct((_BATCH,), jnp.float32),
        jax.ShapeDtypeStruct((_BATCH,), jnp.float32),
    ],
    scratch_types=[
        pltpu.VMEM((_BPW,), jnp.int32),
        pltpu.VMEM((_BPW,), jnp.float32),
        pltpu.VMEM((_BPW,), jnp.float32),
        pltpu.VMEM((_BPW,), jnp.float32),
        pltpu.VMEM((_BPW,), jnp.float32),
        pltpu.VMEM((_BPW,), jnp.float32),
        pltpu.VMEM((_BPW,), jnp.float32),
        pltpu.VMEM((_BPW,), jnp.float32),
        pltpu.VMEM((_BPW,), jnp.float32),
        pltpu.VMEM((_BPW,), jnp.float32),
        pltpu.VMEM((_BPW,), jnp.float32),
        pltpu.SemaphoreType.DMA,
        pltpu.SemaphoreType.DMA,
        pltpu.SemaphoreType.DMA,
        pltpu.SemaphoreType.DMA,
        pltpu.SemaphoreType.DMA,
    ],
)
def _bkt_cell(hu_hbm, hm_hbm, obs_hbm, ids_hbm,
              pT_hbm, pF_hbm, pG_hbm, pS_hbm,
              out_u_hbm, out_m_hbm, pc_hbm,
              idx_v, obs_v, hu_v, hm_v, pT_v, pF_v, pG_v, pS_v,
              nu_v, nm_v, pc_v, sem_q0, sem_q1, sem_q2, sem_q3, sem_lin):
    wid = lax.axis_index("s") * _NC + lax.axis_index("c")
    base = wid * _BPW
    q = _BPW // 4
    sems = (sem_q0, sem_q1, sem_q2, sem_q3)

    pltpu.sync_copy(ids_hbm.at[pl.ds(base, _BPW)], idx_v)
    gathers = []
    for j in range(4):
        ql = pl.ds(j * q, q)
        gathers.append([pltpu.async_copy(tbl.at[idx_v.at[ql]], dst.at[ql],
                                         sems[j])
                        for tbl, dst in ((pT_hbm, pT_v), (pF_hbm, pF_v),
                                         (pG_hbm, pG_v), (pS_hbm, pS_v))])
    lin = [pltpu.async_copy(obs_hbm.at[pl.ds(base, _BPW)], obs_v, sem_lin),
           pltpu.async_copy(hu_hbm.at[pl.ds(base, _BPW)], hu_v, sem_lin),
           pltpu.async_copy(hm_hbm.at[pl.ds(base, _BPW)], hm_v, sem_lin)]

    def _update(i):
        sl = pl.ds(i * _L, _L)
        gT = jnp.exp(-pT_v[sl])
        gF = jnp.exp(-pF_v[sl])
        gG = jnp.exp(-pG_v[sl])
        gS = jnp.exp(-pS_v[sl])
        oT = 1.0 + gT
        oF = 1.0 + gF
        oG = 1.0 + gG
        oS = 1.0 + gS
        obs = obs_v[sl] != 0.0
        w_m = jnp.where(obs, gS * oG, oG)
        a_u = jnp.where(obs, oS, gG * oS) * hu_v[sl]
        a_m = w_m * hm_v[sl]
        c = oG * oS
        p_tf = oT * oF
        sum_a = a_m + a_u
        norm = p_tf * (sum_a + _EPSILON * c)
        s_m = (gF * oT) * a_m + oF * a_u
        d = 1.0 / (norm * c)
        r1 = d * c
        total = p_tf * sum_a
        n_m = s_m * r1
        nm_v[sl] = n_m
        nu_v[sl] = total * r1 - n_m
        s_u = total - s_m
        pc_v[sl] = ((gS * oG) * s_m + oS * s_u) * d

    for c in lin:
        c.wait()
    for gg in gathers:
        for g in gg:
            g.wait()
    @plsc.parallel_loop(0, _BPW // _L, 1, unroll=2)
    def _loop_body(i):
        _update(i)

    outs = [pltpu.async_copy(nu_v, out_u_hbm.at[pl.ds(base, _BPW)], sem_lin),
            pltpu.async_copy(nm_v, out_m_hbm.at[pl.ds(base, _BPW)], sem_lin),
            pltpu.async_copy(pc_v, pc_hbm.at[pl.ds(base, _BPW)], sem_lin)]
    for c in outs:
        c.wait()


def kernel(h_prev, observation, kc_ids, pL0_logit, pT_logit, pF_logit,
           pG_logit, pS_logit):
    del pL0_logit
    new_u, new_m, p_correct = _bkt_cell(
        h_prev[:, 0], h_prev[:, 1], observation, kc_ids.astype(jnp.int32),
        pT_logit, pF_logit, pG_logit, pS_logit)
    return (jnp.stack([new_u, new_m], axis=-1), p_correct)

# --- scband reference (transcript-rebuilt; emitter-appended) ---
"""Pipeline reference for scband-bktrnncell-14860586844434 (READ-ONLY COPY).

The authoritative reference and input builder live on the scoring server;
editing this copy changes nothing except your own understanding.
"""

import jax, jax.numpy as jnp
import numpy as np

EPSILON = 1e-08
NUM_KCS = 1000000
BATCH = 16384

def setup_inputs(seed: int = 0) -> dict:
    key = jax.random.key(seed)
    k1, k2, k3 = jax.random.split(key, 3)
    h = jax.random.uniform(k1, (BATCH, 2), dtype=jnp.float32)
    h_prev = h / jnp.sum(h, axis=-1, keepdims=True)
    observation = jax.random.randint(k2, (BATCH,), 0, 2).astype(jnp.float32)
    kc_ids = jax.random.randint(k3, (BATCH,), 0, NUM_KCS)
    # learned parameters, initialized exactly as in the torch module
    pL0_logit = jnp.zeros((NUM_KCS,), dtype=jnp.float32)
    pT_logit = jnp.full((NUM_KCS,), -2.0, dtype=jnp.float32)
    pF_logit = jnp.full((NUM_KCS,), -4.0, dtype=jnp.float32)
    pG_logit = jnp.full((NUM_KCS,), -1.5, dtype=jnp.float32)
    pS_logit = jnp.full((NUM_KCS,), -1.5, dtype=jnp.float32)
    return {"h_prev": h_prev, "observation": observation, "kc_ids": kc_ids,
            "pL0_logit": pL0_logit, "pT_logit": pT_logit, "pF_logit": pF_logit,
            "pG_logit": pG_logit, "pS_logit": pS_logit}

def reference(h_prev, observation, kc_ids, pL0_logit, pT_logit, pF_logit, pG_logit, pS_logit):
    # get_params: gather per-KC logits, map to probability space
    pL0 = jax.nn.sigmoid(jnp.take(pL0_logit, kc_ids, axis=0))  # computed but unused, as in torch
    pT = jax.nn.sigmoid(jnp.take(pT_logit, kc_ids, axis=0))
    pF = jax.nn.sigmoid(jnp.take(pF_logit, kc_ids, axis=0))
    pG = jax.nn.sigmoid(jnp.take(pG_logit, kc_ids, axis=0))
    pS = jax.nn.sigmoid(jnp.take(pS_logit, kc_ids, axis=0))
    obs_bool = observation.astype(bool)
    p_obs_given_mastered = jnp.where(obs_bool, 1.0 - pS, pS)
    p_obs_given_unmastered = jnp.where(obs_bool, pG, 1.0 - pG)
    h_unmastered = h_prev[:, 0]
    h_mastered = h_prev[:, 1]
    alpha_unmastered = p_obs_given_unmastered * h_unmastered
    alpha_mastered = p_obs_given_mastered * h_mastered
    new_mastered = (1.0 - pF) * alpha_mastered + pT * alpha_unmastered
    new_unmastered = pF * alpha_mastered + (1.0 - pT) * alpha_unmastered
    normaliser = new_mastered + new_unmastered + EPSILON
    new_mastered = new_mastered / normaliser
    new_unmastered = new_unmastered / normaliser
    h_new = jnp.stack([new_unmastered, new_mastered], axis=-1)
    p_correct = (1.0 - pS) * h_new[:, 1] + pG * h_new[:, 0]
    return (h_new, p_correct)

if __name__ == "__main__":
    import jax
    _d = setup_inputs()
    print(jax.jit(kernel)(*tuple(_d.values())))

</pallas_src>

<mosaic_0001>
#map = affine_map<(d0, d1) -> (0)>
module attributes {stable_mosaic.version = 14 : i64} {
  func.func @_bkt_cell(%arg0: i32, %arg1: i32, %arg2: memref<16384xf32, #tpu.memory_space<hbm>>, %arg3: memref<16384xf32, #tpu.memory_space<hbm>>, %arg4: memref<16384xf32, #tpu.memory_space<hbm>>, %arg5: memref<16384xi32, #tpu.memory_space<hbm>>, %arg6: memref<1000000xf32, #tpu.memory_space<hbm>>, %arg7: memref<1000000xf32, #tpu.memory_space<hbm>>, %arg8: memref<1000000xf32, #tpu.memory_space<hbm>>, %arg9: memref<1000000xf32, #tpu.memory_space<hbm>>, %arg10: memref<16384xf32, #tpu.memory_space<hbm>>, %arg11: memref<16384xf32, #tpu.memory_space<hbm>>, %arg12: memref<16384xf32, #tpu.memory_space<hbm>>, %arg13: memref<512xi32, #tpu.memory_space<vmem>>, %arg14: memref<512xf32, #tpu.memory_space<vmem>>, %arg15: memref<512xf32, #tpu.memory_space<vmem>>, %arg16: memref<512xf32, #tpu.memory_space<vmem>>, %arg17: memref<512xf32, #tpu.memory_space<vmem>>, %arg18: memref<512xf32, #tpu.memory_space<vmem>>, %arg19: memref<512xf32, #tpu.memory_space<vmem>>, %arg20: memref<512xf32, #tpu.memory_space<vmem>>, %arg21: memref<512xf32, #tpu.memory_space<vmem>>, %arg22: memref<512xf32, #tpu.memory_space<vmem>>, %arg23: memref<512xf32, #tpu.memory_space<vmem>>, %arg24: memref<!tpu.dma_semaphore, #tpu.memory_space<semaphore_mem>>, %arg25: memref<!tpu.dma_semaphore, #tpu.memory_space<semaphore_mem>>, %arg26: memref<!tpu.dma_semaphore, #tpu.memory_space<semaphore_mem>>, %arg27: memref<!tpu.dma_semaphore, #tpu.memory_space<semaphore_mem>>, %arg28: memref<!tpu.dma_semaphore, #tpu.memory_space<semaphore_mem>>) attributes {dimension_semantics = [#tpu.dimension_semantics<core_parallel>, #tpu.dimension_semantics<subcore_parallel>], iteration_bounds = array<i64: 2, 16>, scalar_prefetch = 0 : i64, scratch_operands = 16 : i64, tpu.core_type = #tpu.core_type<sc_vector_subcore>, window_params = [{transform_indices = #map}, {transform_indices = #map}, {transform_indices = #map}, {transform_indices = #map}, {transform_indices = #map}, {transform_indices = #map}, {transform_indices = #map}, {transform_indices = #map}, {transform_indices = #map}, {transform_indices = #map}, {transform_indices = #map}]} {
    %mul3A = arith.constant 2 : i32
    %mul3A_0 = arith.muli %arg1, %mul3A : i32
    %add3A = arith.addi %mul3A_0, %arg0 : i32
    %mul3A_1 = arith.constant 512 : i32
    %mul3A_2 = arith.muli %add3A, %mul3A_1 : i32
    "tpu.region"() ({
      %run_scoped3A = tpu.sem_alloc : memref<!tpu.dma_semaphore, #tpu.memory_space<semaphore_mem>>
      %dma_start3A_219 = tpu.memref_slice %arg5[%mul3A_2] : memref<16384xi32, #tpu.memory_space<hbm>> -> memref<512xi32, #tpu.memory_space<hbm>>
      %dma_start3A_220 = tpu.memref_slice %arg5[%mul3A_2] : memref<16384xi32, #tpu.memory_space<hbm>> -> memref<512xi32, #tpu.memory_space<hbm>>
      tpu.enqueue_dma source(%dma_start3A_220 : memref<512xi32, #tpu.memory_space<hbm>>) target(%arg13 : memref<512xi32, #tpu.memory_space<vmem>>) target_semaphore(%run_scoped3A : memref<!tpu.dma_semaphore, #tpu.memory_space<semaphore_mem>>)
      %dma_wait3A_221 = tpu.memref_slice %arg5[%mul3A_2] : memref<16384xi32, #tpu.memory_space<hbm>> -> memref<512xi32, #tpu.memory_space<hbm>>
      %dma_wait3A_222 = tpu.memref_slice %arg5[%mul3A_2] : memref<16384xi32, #tpu.memory_space<hbm>> -> memref<512xi32, #tpu.memory_space<hbm>>
      tpu.wait_dma2 semaphore(%run_scoped3A : memref<!tpu.dma_semaphore, #tpu.memory_space<semaphore_mem>>) src(%dma_wait3A_222 : memref<512xi32, #tpu.memory_space<hbm>>) dst(%arg13 : memref<512xi32, #tpu.memory_space<vmem>>)
      tpu.yield
    }) : () -> ()
    %dma_start3A = arith.constant 0 : i32
    %dma_start3A_3 = tpu.memref_slice %arg17[%dma_start3A] : memref<512xf32, #tpu.memory_space<vmem>> -> memref<128xf32, #tpu.memory_space<vmem>>
    %dma_start3A_4 = arith.constant 0 : i32
    %dma_start3A_5 = tpu.memref_slice %arg13[%dma_start3A_4] : memref<512xi32, #tpu.memory_space<vmem>> -> memref<128xi32, #tpu.memory_space<vmem>>
    %dma_start3A_6 = arith.constant 0 : i32
    %dma_start3A_7 = tpu.memref_slice %arg6[%dma_start3A_6] : memref<1000000xf32, #tpu.memory_space<hbm>> -> memref<1000000xf32, #tpu.memory_space<hbm>>
    tpu.enqueue_indirect_dma source(%dma_start3A_7 : memref<1000000xf32, #tpu.memory_space<hbm>>) target(%dma_start3A_3 : memref<128xf32, #tpu.memory_space<vmem>>) offsets(%dma_start3A_5 : memref<128xi32, #tpu.memory_space<vmem>>) semaphore(%arg24 : memref<!tpu.dma_semaphore, #tpu.memory_space<semaphore_mem>>)
    %dma_start3A_8 = arith.constant 0 : i32
    %dma_start3A_9 = tpu.memref_slice %arg18[%dma_start3A_8] : memref<512xf32, #tpu.memory_space<vmem>> -> memref<128xf32, #tpu.memory_space<vmem>>
    %dma_start3A_10 = arith.constant 0 : i32
    %dma_start3A_11 = tpu.memref_slice %arg13[%dma_start3A_10] : memref<512xi32, #tpu.memory_space<vmem>> -> memref<128xi32, #tpu.memory_space<vmem>>
    %dma_start3A_12 = arith.constant 0 : i32
    %dma_start3A_13 = tpu.memref_slice %arg7[%dma_start3A_12] : memref<1000000xf32, #tpu.memory_space<hbm>> -> memref<1000000xf32, #tpu.memory_space<hbm>>
    tpu.enqueue_indirect_dma source(%dma_start3A_13 : memref<1000000xf32, #tpu.memory_space<hbm>>) target(%dma_start3A_9 : memref<128xf32, #tpu.memory_space<vmem>>) offsets(%dma_start3A_11 : memref<128xi32, #tpu.memory_space<vmem>>) semaphore(%arg24 : memref<!tpu.dma_semaphore, #tpu.memory_space<semaphore_mem>>)
    %dma_start3A_14 = arith.constant 0 : i32
    %dma_start3A_15 = tpu.memref_slice %arg19[%dma_start3A_14] : memref<512xf32, #tpu.memory_space<vmem>> -> memref<128xf32, #tpu.memory_space<vmem>>
    %dma_start3A_16 = arith.constant 0 : i32
    %dma_start3A_17 = tpu.memref_slice %arg13[%dma_start3A_16] : memref<512xi32, #tpu.memory_space<vmem>> -> memref<128xi32, #tpu.memory_space<vmem>>
    %dma_start3A_18 = arith.constant 0 : i32
    %dma_start3A_19 = tpu.memref_slice %arg8[%dma_start3A_18] : memref<1000000xf32, #tpu.memory_space<hbm>> -> memref<1000000xf32, #tpu.memory_space<hbm>>
    tpu.enqueue_indirect_dma source(%dma_start3A_19 : memref<1000000xf32, #tpu.memory_space<hbm>>) target(%dma_start3A_15 : memref<128xf32, #tpu.memory_space<vmem>>) offsets(%dma_start3A_17 : memref<128xi32, #tpu.memory_space<vmem>>) semaphore(%arg24 : memref<!tpu.dma_semaphore, #tpu.memory_space<semaphore_mem>>)
    %dma_start3A_20 = arith.constant 0 : i32
    %dma_start3A_21 = tpu.memref_slice %arg20[%dma_start3A_20] : memref<512xf32, #tpu.memory_space<vmem>> -> memref<128xf32, #tpu.memory_space<vmem>>
    %dma_start3A_22 = arith.constant 0 : i32
    %dma_start3A_23 = tpu.memref_slice %arg13[%dma_start3A_22] : memref<512xi32, #tpu.memory_space<vmem>> -> memref<128xi32, #tpu.memory_space<vmem>>
    %dma_start3A_24 = arith.constant 0 : i32
    %dma_start3A_25 = tpu.memref_slice %arg9[%dma_start3A_24] : memref<1000000xf32, #tpu.memory_space<hbm>> -> memref<1000000xf32, #tpu.memory_space<hbm>>
    tpu.enqueue_indirect_dma source(%dma_start3A_25 : memref<1000000xf32, #tpu.memory_space<hbm>>) target(%dma_start3A_21 : memref<128xf32, #tpu.memory_space<vmem>>) offsets(%dma_start3A_23 : memref<128xi32, #tpu.memory_space<vmem>>) semaphore(%arg24 : memref<!tpu.dma_semaphore, #tpu.memory_space<semaphore_mem>>)
    %dma_start3A_26 = arith.constant 128 : i32
    %dma_start3A_27 = tpu.memref_slice %arg17[%dma_start3A_26] : memref<512xf32, #tpu.memory_space<vmem>> -> memref<128xf32, #tpu.memory_space<vmem>>
    %dma_start3A_28 = arith.constant 128 : i32
    %dma_start3A_29 = tpu.memref_slice %arg13[%dma_start3A_28] : memref<512xi32, #tpu.memory_space<vmem>> -> memref<128xi32, #tpu.memory_space<vmem>>
    %dma_start3A_30 = arith.constant 0 : i32
    %dma_start3A_31 = tpu.memref_slice %arg6[%dma_start3A_30] : memref<1000000xf32, #tpu.memory_space<hbm>> -> memref<1000000xf32, #tpu.memory_space<hbm>>
    tpu.enqueue_indirect_dma source(%dma_start3A_31 : memref<1000000xf32, #tpu.memory_space<hbm>>) target(%dma_start3A_27 : memref<128xf32, #tpu.memory_space<vmem>>) offsets(%dma_start3A_29 : memref<128xi32, #tpu.memory_space<vmem>>) semaphore(%arg25 : memref<!tpu.dma_semaphore, #tpu.memory_space<semaphore_mem>>)
    %dma_start3A_32 = arith.constant 128 : i32
    %dma_start3A_33 = tpu.memref_slice %arg18[%dma_start3A_32] : memref<512xf32, #tpu.memory_space<vmem>> -> memref<128xf32, #tpu.memory_space<vmem>>
    %dma_start3A_34 = arith.constant 128 : i32
    %dma_start3A_35 = tpu.memref_slice %arg13[%dma_start3A_34] : memref<512xi32, #tpu.memory_space<vmem>> -> memref<128xi32, #tpu.memory_space<vmem>>
    %dma_start3A_36 = arith.constant 0 : i32
    %dma_start3A_37 = tpu.memref_slice %arg7[%dma_start3A_36] : memref<1000000xf32, #tpu.memory_space<hbm>> -> memref<1000000xf32, #tpu.memory_space<hbm>>
    tpu.enqueue_indirect_dma source(%dma_start3A_37 : memref<1000000xf32, #tpu.memory_space<hbm>>) target(%dma_start3A_33 : memref<128xf32, #tpu.memory_space<vmem>>) offsets(%dma_start3A_35 : memref<128xi32, #tpu.memory_space<vmem>>) semaphore(%arg25 : memref<!tpu.dma_semaphore, #tpu.memory_space<semaphore_mem>>)
    %dma_start3A_38 = arith.constant 128 : i32
    %dma_start3A_39 = tpu.memref_slice %arg19[%dma_start3A_38] : memref<512xf32, #tpu.memory_space<vmem>> -> memref<128xf32, #tpu.memory_space<vmem>>
    %dma_start3A_40 = arith.constant 128 : i32
    %dma_start3A_41 = tpu.memref_slice %arg13[%dma_start3A_40] : memref<512xi32, #tpu.memory_space<vmem>> -> memref<128xi32, #tpu.memory_space<vmem>>
    %dma_start3A_42 = arith.constant 0 : i32
    %dma_start3A_43 = tpu.memref_slice %arg8[%dma_start3A_42] : memref<1000000xf32, #tpu.memory_space<hbm>> -> memref<1000000xf32, #tpu.memory_space<hbm>>
    tpu.enqueue_indirect_dma source(%dma_start3A_43 : memref<1000000xf32, #tpu.memory_space<hbm>>) target(%dma_start3A_39 : memref<128xf32, #tpu.memory_space<vmem>>) offsets(%dma_start3A_41 : memref<128xi32, #tpu.memory_space<vmem>>) semaphore(%arg25 : memref<!tpu.dma_semaphore, #tpu.memory_space<semaphore_mem>>)
    %dma_start3A_44 = arith.constant 128 : i32
    %dma_start3A_45 = tpu.memref_slice %arg20[%dma_start3A_44] : memref<512xf32, #tpu.memory_space<vmem>> -> memref<128xf32, #tpu.memory_space<vmem>>
    %dma_start3A_46 = arith.constant 128 : i32
    %dma_start3A_47 = tpu.memref_slice %arg13[%dma_start3A_46] : memref<512xi32, #tpu.memory_space<vmem>> -> memref<128xi32, #tpu.memory_space<vmem>>
    %dma_start3A_48 = arith.constant 0 : i32
    %dma_start3A_49 = tpu.memref_slice %arg9[%dma_start3A_48] : memref<1000000xf32, #tpu.memory_space<hbm>> -> memref<1000000xf32, #tpu.memory_space<hbm>>
    tpu.enqueue_indirect_dma source(%dma_start3A_49 : memref<1000000xf32, #tpu.memory_space<hbm>>) target(%dma_start3A_45 : memref<128xf32, #tpu.memory_space<vmem>>) offsets(%dma_start3A_47 : memref<128xi32, #tpu.memory_space<vmem>>) semaphore(%arg25 : memref<!tpu.dma_semaphore, #tpu.memory_space<semaphore_mem>>)
    %dma_start3A_50 = arith.constant 256 : i32
    %dma_start3A_51 = tpu.memref_slice %arg17[%dma_start3A_50] : memref<512xf32, #tpu.memory_space<vmem>> -> memref<128xf32, #tpu.memory_space<vmem>>
    %dma_start3A_52 = arith.constant 256 : i32
    %dma_start3A_53 = tpu.memref_slice %arg13[%dma_start3A_52] : memref<512xi32, #tpu.memory_space<vmem>> -> memref<128xi32, #tpu.memory_space<vmem>>
    %dma_start3A_54 = arith.constant 0 : i32
    %dma_start3A_55 = tpu.memref_slice %arg6[%dma_start3A_54] : memref<1000000xf32, #tpu.memory_space<hbm>> -> memref<1000000xf32, #tpu.memory_space<hbm>>
    tpu.enqueue_indirect_dma source(%dma_start3A_55 : memref<1000000xf32, #tpu.memory_space<hbm>>) target(%dma_start3A_51 : memref<128xf32, #tpu.memory_space<vmem>>) offsets(%dma_start3A_53 : memref<128xi32, #tpu.memory_space<vmem>>) semaphore(%arg26 : memref<!tpu.dma_semaphore, #tpu.memory_space<semaphore_mem>>)
    %dma_start3A_56 = arith.constant 256 : i32
    %dma_start3A_57 = tpu.memref_slice %arg18[%dma_start3A_56] : memref<512xf32, #tpu.memory_space<vmem>> -> memref<128xf32, #tpu.memory_space<vmem>>
    %dma_start3A_58 = arith.constant 256 : i32
    %dma_start3A_59 = tpu.memref_slice %arg13[%dma_start3A_58] : memref<512xi32, #tpu.memory_space<vmem>> -> memref<128xi32, #tpu.memory_space<vmem>>
    %dma_start3A_60 = arith.constant 0 : i32
    %dma_start3A_61 = tpu.memref_slice %arg7[%dma_start3A_60] : memref<1000000xf32, #tpu.memory_space<hbm>> -> memref<1000000xf32, #tpu.memory_space<hbm>>
    tpu.enqueue_indirect_dma source(%dma_start3A_61 : memref<1000000xf32, #tpu.memory_space<hbm>>) target(%dma_start3A_57 : memref<128xf32, #tpu.memory_space<vmem>>) offsets(%dma_start3A_59 : memref<128xi32, #tpu.memory_space<vmem>>) semaphore(%arg26 : memref<!tpu.dma_semaphore, #tpu.memory_space<semaphore_mem>>)
    %dma_start3A_62 = arith.constant 256 : i32
    %dma_start3A_63 = tpu.memref_slice %arg19[%dma_start3A_62] : memref<512xf32, #tpu.memory_space<vmem>> -> memref<128xf32, #tpu.memory_space<vmem>>
    %dma_start3A_64 = arith.constant 256 : i32
    %dma_start3A_65 = tpu.memref_slice %arg13[%dma_start3A_64] : memref<512xi32, #tpu.memory_space<vmem>> -> memref<128xi32, #tpu.memory_space<vmem>>
    %dma_start3A_66 = arith.constant 0 : i32
    %dma_start3A_67 = tpu.memref_slice %arg8[%dma_start3A_66] : memref<1000000xf32, #tpu.memory_space<hbm>> -> memref<1000000xf32, #tpu.memory_space<hbm>>
    tpu.enqueue_indirect_dma source(%dma_start3A_67 : memref<1000000xf32, #tpu.memory_space<hbm>>) target(%dma_start3A_63 : memref<128xf32, #tpu.memory_space<vmem>>) offsets(%dma_start3A_65 : memref<128xi32, #tpu.memory_space<vmem>>) semaphore(%arg26 : memref<!tpu.dma_semaphore, #tpu.memory_space<semaphore_mem>>)
    %dma_start3A_68 = arith.constant 256 : i32
    %dma_start3A_69 = tpu.memref_slice %arg20[%dma_start3A_68] : memref<512xf32, #tpu.memory_space<vmem>> -> memref<128xf32, #tpu.memory_space<vmem>>
    %dma_start3A_70 = arith.constant 256 : i32
    %dma_start3A_71 = tpu.memref_slice %arg13[%dma_start3A_70] : memref<512xi32, #tpu.memory_space<vmem>> -> memref<128xi32, #tpu.memory_space<vmem>>
    %dma_start3A_72 = arith.constant 0 : i32
    %dma_start3A_73 = tpu.memref_slice %arg9[%dma_start3A_72] : memref<1000000xf32, #tpu.memory_space<hbm>> -> memref<1000000xf32, #tpu.memory_space<hbm>>
    tpu.enqueue_indirect_dma source(%dma_start3A_73 : memref<1000000xf32, #tpu.memory_space<hbm>>) target(%dma_start3A_69 : memref<128xf32, #tpu.memory_space<vmem>>) offsets(%dma_start3A_71 : memref<128xi32, #tpu.memory_space<vmem>>) semaphore(%arg26 : memref<!tpu.dma_semaphore, #tpu.memory_space<semaphore_mem>>)
    %dma_start3A_74 = arith.constant 384 : i32
    %dma_start3A_75 = tpu.memref_slice %arg17[%dma_start3A_74] : memref<512xf32, #tpu.memory_space<vmem>> -> memref<128xf32, #tpu.memory_space<vmem>>
    %dma_start3A_76 = arith.constant 384 : i32
    %dma_start3A_77 = tpu.memref_slice %arg13[%dma_start3A_76] : memref<512xi32, #tpu.memory_space<vmem>> -> memref<128xi32, #tpu.memory_space<vmem>>
    %dma_start3A_78 = arith.constant 0 : i32
    %dma_start3A_79 = tpu.memref_slice %arg6[%dma_start3A_78] : memref<1000000xf32, #tpu.memory_space<hbm>> -> memref<1000000xf32, #tpu.memory_space<hbm>>
    tpu.enqueue_indirect_dma source(%dma_start3A_79 : memref<1000000xf32, #tpu.memory_space<hbm>>) target(%dma_start3A_75 : memref<128xf32, #tpu.memory_space<vmem>>) offsets(%dma_start3A_77 : memref<128xi32, #tpu.memory_space<vmem>>) semaphore(%arg27 : memref<!tpu.dma_semaphore, #tpu.memory_space<semaphore_mem>>)
    %dma_start3A_80 = arith.constant 384 : i32
    %dma_start3A_81 = tpu.memref_slice %arg18[%dma_start3A_80] : memref<512xf32, #tpu.memory_space<vmem>> -> memref<128xf32, #tpu.memory_space<vmem>>
    %dma_start3A_82 = arith.constant 384 : i32
    %dma_start3A_83 = tpu.memref_slice %arg13[%dma_start3A_82] : memref<512xi32, #tpu.memory_space<vmem>> -> memref<128xi32, #tpu.memory_space<vmem>>
    %dma_start3A_84 = arith.constant 0 : i32
    %dma_start3A_85 = tpu.memref_slice %arg7[%dma_start3A_84] : memref<1000000xf32, #tpu.memory_space<hbm>> -> memref<1000000xf32, #tpu.memory_space<hbm>>
    tpu.enqueue_indirect_dma source(%dma_start3A_85 : memref<1000000xf32, #tpu.memory_space<hbm>>) target(%dma_start3A_81 : memref<128xf32, #tpu.memory_space<vmem>>) offsets(%dma_start3A_83 : memref<128xi32, #tpu.memory_space<vmem>>) semaphore(%arg27 : memref<!tpu.dma_semaphore, #tpu.memory_space<semaphore_mem>>)
    %dma_start3A_86 = arith.constant 384 : i32
    %dma_start3A_87 = tpu.memref_slice %arg19[%dma_start3A_86] : memref<512xf32, #tpu.memory_space<vmem>> -> memref<128xf32, #tpu.memory_space<vmem>>
    %dma_start3A_88 = arith.constant 384 : i32
    %dma_start3A_89 = tpu.memref_slice %arg13[%dma_start3A_88] : memref<512xi32, #tpu.memory_space<vmem>> -> memref<128xi32, #tpu.memory_space<vmem>>
    %dma_start3A_90 = arith.constant 0 : i32
    %dma_start3A_91 = tpu.memref_slice %arg8[%dma_start3A_90] : memref<1000000xf32, #tpu.memory_space<hbm>> -> memref<1000000xf32, #tpu.memory_space<hbm>>
    tpu.enqueue_indirect_dma source(%dma_start3A_91 : memref<1000000xf32, #tpu.memory_space<hbm>>) target(%dma_start3A_87 : memref<128xf32, #tpu.memory_space<vmem>>) offsets(%dma_start3A_89 : memref<128xi32, #tpu.memory_space<vmem>>) semaphore(%arg27 : memref<!tpu.dma_semaphore, #tpu.memory_space<semaphore_mem>>)
    %dma_start3A_92 = arith.constant 384 : i32
    %dma_start3A_93 = tpu.memref_slice %arg20[%dma_start3A_92] : memref<512xf32, #tpu.memory_space<vmem>> -> memref<128xf32, #tpu.memory_space<vmem>>
    %dma_start3A_94 = arith.constant 384 : i32
    %dma_start3A_95 = tpu.memref_slice %arg13[%dma_start3A_94] : memref<512xi32, #tpu.memory_space<vmem>> -> memref<128xi32, #tpu.memory_space<vmem>>
    %dma_start3A_96 = arith.constant 0 : i32
    %dma_start3A_97 = tpu.memref_slice %arg9[%dma_start3A_96] : memref<1000000xf32, #tpu.memory_space<hbm>> -> memref<1000000xf32, #tpu.memory_space<hbm>>
    tpu.enqueue_indirect_dma source(%dma_start3A_97 : memref<1000000xf32, #tpu.memory_space<hbm>>) target(%dma_start3A_93 : memref<128xf32, #tpu.memory_space<vmem>>) offsets(%dma_start3A_95 : memref<128xi32, #tpu.memory_space<vmem>>) semaphore(%arg27 : memref<!tpu.dma_semaphore, #tpu.memory_space<semaphore_mem>>)
    %dma_start3A_98 = tpu.memref_slice %arg4[%mul3A_2] : memref<16384xf32, #tpu.memory_space<hbm>> -> memref<512xf32, #tpu.memory_space<hbm>>
    %dma_start3A_99 = tpu.memref_slice %arg4[%mul3A_2] : memref<16384xf32, #tpu.memory_space<hbm>> -> memref<512xf32, #tpu.memory_space<hbm>>
    tpu.enqueue_dma source(%dma_start3A_99 : memref<512xf32, #tpu.memory_space<hbm>>) target(%arg14 : memref<512xf32, #tpu.memory_space<vmem>>) target_semaphore(%arg28 : memref<!tpu.dma_semaphore, #tpu.memory_space<semaphore_mem>>)
    %dma_start3A_100 = tpu.memref_slice %arg2[%mul3A_2] : memref<16384xf32, #tpu.memory_space<hbm>> -> memref<512xf32, #tpu.memory_space<hbm>>
    %dma_start3A_101 = tpu.memref_slice %arg2[%mul3A_2] : memref<16384xf32, #tpu.memory_space<hbm>> -> memref<512xf32, #tpu.memory_space<hbm>>
    tpu.enqueue_dma source(%dma_start3A_101 : memref<512xf32, #tpu.memory_space<hbm>>) target(%arg15 : memref<512xf32, #tpu.memory_space<vmem>>) target_semaphore(%arg28 : memref<!tpu.dma_semaphore, #tpu.memory_space<semaphore_mem>>)
    %dma_start3A_102 = tpu.memref_slice %arg3[%mul3A_2] : memref<16384xf32, #tpu.memory_space<hbm>> -> memref<512xf32, #tpu.memory_space<hbm>>
    %dma_start3A_103 = tpu.memref_slice %arg3[%mul3A_2] : memref<16384xf32, #tpu.memory_space<hbm>> -> memref<512xf32, #tpu.memory_space<hbm>>
    tpu.enqueue_dma source(%dma_start3A_103 : memref<512xf32, #tpu.memory_space<hbm>>) target(%arg16 : memref<512xf32, #tpu.memory_space<vmem>>) target_semaphore(%arg28 : memref<!tpu.dma_semaphore, #tpu.memory_space<semaphore_mem>>)
    %dma_wait3A = tpu.memref_slice %arg4[%mul3A_2] : memref<16384xf32, #tpu.memory_space<hbm>> -> memref<512xf32, #tpu.memory_space<hbm>>
    %dma_wait3A_104 = tpu.memref_slice %arg4[%mul3A_2] : memref<16384xf32, #tpu.memory_space<hbm>> -> memref<512xf32, #tpu.memory_space<hbm>>
    tpu.wait_dma2 semaphore(%arg28 : memref<!tpu.dma_semaphore, #tpu.memory_space<semaphore_mem>>) src(%dma_wait3A_104 : memref<512xf32, #tpu.memory_space<hbm>>) dst(%arg14 : memref<512xf32, #tpu.memory_space<vmem>>)
    %dma_wait3A_105 = tpu.memref_slice %arg2[%mul3A_2] : memref<16384xf32, #tpu.memory_space<hbm>> -> memref<512xf32, #tpu.memory_space<hbm>>
    %dma_wait3A_106 = tpu.memref_slice %arg2[%mul3A_2] : memref<16384xf32, #tpu.memory_space<hbm>> -> memref<512xf32, #tpu.memory_space<hbm>>
    tpu.wait_dma2 semaphore(%arg28 : memref<!tpu.dma_semaphore, #tpu.memory_space<semaphore_mem>>) src(%dma_wait3A_106 : memref<512xf32, #tpu.memory_space<hbm>>) dst(%arg15 : memref<512xf32, #tpu.memory_space<vmem>>)
    %dma_wait3A_107 = tpu.memref_slice %arg3[%mul3A_2] : memref<16384xf32, #tpu.memory_space<hbm>> -> memref<512xf32, #tpu.memory_space<hbm>>
    %dma_wait3A_108 = tpu.memref_slice %arg3[%mul3A_2] : memref<16384xf32, #tpu.memory_space<hbm>> -> memref<512xf32, #tpu.memory_space<hbm>>
    tpu.wait_dma2 semaphore(%arg28 : memref<!tpu.dma_semaphore, #tpu.memory_space<semaphore_mem>>) src(%dma_wait3A_108 : memref<512xf32, #tpu.memory_space<hbm>>) dst(%arg16 : memref<512xf32, #tpu.memory_space<vmem>>)
    %dma_wait3A_109 = arith.constant 0 : i32
    %dma_wait3A_110 = tpu.memref_slice %arg17[%dma_wait3A_109] : memref<512xf32, #tpu.memory_space<vmem>> -> memref<128xf32, #tpu.memory_space<vmem>>
    %dma_wait3A_111 = arith.constant 0 : i32
    %dma_wait3A_112 = tpu.memref_slice %arg13[%dma_wait3A_111] : memref<512xi32, #tpu.memory_space<vmem>> -> memref<128xi32, #tpu.memory_space<vmem>>
    %dma_wait3A_113 = arith.constant 0 : i32
    %dma_wait3A_114 = tpu.memref_slice %arg6[%dma_wait3A_113] : memref<1000000xf32, #tpu.memory_space<hbm>> -> memref<1000000xf32, #tpu.memory_space<hbm>>
    tpu.wait_indirect_dma semaphore(%arg24 : memref<!tpu.dma_semaphore, #tpu.memory_space<semaphore_mem>>) src(%dma_wait3A_114 : memref<1000000xf32, #tpu.memory_space<hbm>>) dst(%dma_wait3A_110 : memref<128xf32, #tpu.memory_space<vmem>>)
    %dma_wait3A_115 = arith.constant 0 : i32
    %dma_wait3A_116 = tpu.memref_slice %arg18[%dma_wait3A_115] : memref<512xf32, #tpu.memory_space<vmem>> -> memref<128xf32, #tpu.memory_space<vmem>>
    %dma_wait3A_117 = arith.constant 0 : i32
    %dma_wait3A_118 = tpu.memref_slice %arg13[%dma_wait3A_117] : memref<512xi32, #tpu.memory_space<vmem>> -> memref<128xi32, #tpu.memory_space<vmem>>
    %dma_wait3A_119 = arith.constant 0 : i32
    %dma_wait3A_120 = tpu.memref_slice %arg7[%dma_wait3A_119] : memref<1000000xf32, #tpu.memory_space<hbm>> -> memref<1000000xf32, #tpu.memory_space<hbm>>
    tpu.wait_indirect_dma semaphore(%arg24 : memref<!tpu.dma_semaphore, #tpu.memory_space<semaphore_mem>>) src(%dma_wait3A_120 : memref<1000000xf32, #tpu.memory_space<hbm>>) dst(%dma_wait3A_116 : memref<128xf32, #tpu.memory_space<vmem>>)
    %dma_wait3A_121 = arith.constant 0 : i32
    %dma_wait3A_122 = tpu.memref_slice %arg19[%dma_wait3A_121] : memref<512xf32, #tpu.memory_space<vmem>> -> memref<128xf32, #tpu.memory_space<vmem>>
    %dma_wait3A_123 = arith.constant 0 : i32
    %dma_wait3A_124 = tpu.memref_slice %arg13[%dma_wait3A_123] : memref<512xi32, #tpu.memory_space<vmem>> -> memref<128xi32, #tpu.memory_space<vmem>>
    %dma_wait3A_125 = arith.constant 0 : i32
    %dma_wait3A_126 = tpu.memref_slice %arg8[%dma_wait3A_125] : memref<1000000xf32, #tpu.memory_space<hbm>> -> memref<1000000xf32, #tpu.memory_space<hbm>>
    tpu.wait_indirect_dma semaphore(%arg24 : memref<!tpu.dma_semaphore, #tpu.memory_space<semaphore_mem>>) src(%dma_wait3A_126 : memref<1000000xf32, #tpu.memory_space<hbm>>) dst(%dma_wait3A_122 : memref<128xf32, #tpu.memory_space<vmem>>)
    %dma_wait3A_127 = arith.constant 0 : i32
    %dma_wait3A_128 = tpu.memref_slice %arg20[%dma_wait3A_127] : memref<512xf32, #tpu.memory_space<vmem>> -> memref<128xf32, #tpu.memory_space<vmem>>
    %dma_wait3A_129 = arith.constant 0 : i32
    %dma_wait3A_130 = tpu.memref_slice %arg13[%dma_wait3A_129] : memref<512xi32, #tpu.memory_space<vmem>> -> memref<128xi32, #tpu.memory_space<vmem>>
    %dma_wait3A_131 = arith.constant 0 : i32
    %dma_wait3A_132 = tpu.memref_slice %arg9[%dma_wait3A_131] : memref<1000000xf32, #tpu.memory_space<hbm>> -> memref<1000000xf32, #tpu.memory_space<hbm>>
    tpu.wait_indirect_dma semaphore(%arg24 : memref<!tpu.dma_semaphore, #tpu.memory_space<semaphore_mem>>) src(%dma_wait3A_132 : memref<1000000xf32, #tpu.memory_space<hbm>>) dst(%dma_wait3A_128 : memref<128xf32, #tpu.memory_space<vmem>>)
    %dma_wait3A_133 = arith.constant 128 : i32
    %dma_wait3A_134 = tpu.memref_slice %arg17[%dma_wait3A_133] : memref<512xf32, #tpu.memory_space<vmem>> -> memref<128xf32, #tpu.memory_space<vmem>>
    %dma_wait3A_135 = arith.constant 128 : i32
    %dma_wait3A_136 = tpu.memref_slice %arg13[%dma_wait3A_135] : memref<512xi32, #tpu.memory_space<vmem>> -> memref<128xi32, #tpu.memory_space<vmem>>
    %dma_wait3A_137 = arith.constant 0 : i32
    %dma_wait3A_138 = tpu.memref_slice %arg6[%dma_wait3A_137] : memref<1000000xf32, #tpu.memory_space<hbm>> -> memref<1000000xf32, #tpu.memory_space<hbm>>
    tpu.wait_indirect_dma semaphore(%arg25 : memref<!tpu.dma_semaphore, #tpu.memory_space<semaphore_mem>>) src(%dma_wait3A_138 : memref<1000000xf32, #tpu.memory_space<hbm>>) dst(%dma_wait3A_134 : memref<128xf32, #tpu.memory_space<vmem>>)
    %dma_wait3A_139 = arith.constant 128 : i32
    %dma_wait3A_140 = tpu.memref_slice %arg18[%dma_wait3A_139] : memref<512xf32, #tpu.memory_space<vmem>> -> memref<128xf32, #tpu.memory_space<vmem>>
    %dma_wait3A_141 = arith.constant 128 : i32
    %dma_wait3A_142 = tpu.memref_slice %arg13[%dma_wait3A_141] : memref<512xi32, #tpu.memory_space<vmem>> -> memref<128xi32, #tpu.memory_space<vmem>>
    %dma_wait3A_143 = arith.constant 0 : i32
    %dma_wait3A_144 = tpu.memref_slice %arg7[%dma_wait3A_143] : memref<1000000xf32, #tpu.memory_space<hbm>> -> memref<1000000xf32, #tpu.memory_space<hbm>>
    tpu.wait_indirect_dma semaphore(%arg25 : memref<!tpu.dma_semaphore, #tpu.memory_space<semaphore_mem>>) src(%dma_wait3A_144 : memref<1000000xf32, #tpu.memory_space<hbm>>) dst(%dma_wait3A_140 : memref<128xf32, #tpu.memory_space<vmem>>)
    %dma_wait3A_145 = arith.constant 128 : i32
    %dma_wait3A_146 = tpu.memref_slice %arg19[%dma_wait3A_145] : memref<512xf32, #tpu.memory_space<vmem>> -> memref<128xf32, #tpu.memory_space<vmem>>
    %dma_wait3A_147 = arith.constant 128 : i32
    %dma_wait3A_148 = tpu.memref_slice %arg13[%dma_wait3A_147] : memref<512xi32, #tpu.memory_space<vmem>> -> memref<128xi32, #tpu.memory_space<vmem>>
    %dma_wait3A_149 = arith.constant 0 : i32
    %dma_wait3A_150 = tpu.memref_slice %arg8[%dma_wait3A_149] : memref<1000000xf32, #tpu.memory_space<hbm>> -> memref<1000000xf32, #tpu.memory_space<hbm>>
    tpu.wait_indirect_dma semaphore(%arg25 : memref<!tpu.dma_semaphore, #tpu.memory_space<semaphore_mem>>) src(%dma_wait3A_150 : memref<1000000xf32, #tpu.memory_space<hbm>>) dst(%dma_wait3A_146 : memref<128xf32, #tpu.memory_space<vmem>>)
    %dma_wait3A_151 = arith.constant 128 : i32
    %dma_wait3A_152 = tpu.memref_slice %arg20[%dma_wait3A_151] : memref<512xf32, #tpu.memory_space<vmem>> -> memref<128xf32, #tpu.memory_space<vmem>>
    %dma_wait3A_153 = arith.constant 128 : i32
    %dma_wait3A_154 = tpu.memref_slice %arg13[%dma_wait3A_153] : memref<512xi32, #tpu.memory_space<vmem>> -> memref<128xi32, #tpu.memory_space<vmem>>
    %dma_wait3A_155 = arith.constant 0 : i32
    %dma_wait3A_156 = tpu.memref_slice %arg9[%dma_wait3A_155] : memref<1000000xf32, #tpu.memory_space<hbm>> -> memref<1000000xf32, #tpu.memory_space<hbm>>
    tpu.wait_indirect_dma semaphore(%arg25 : memref<!tpu.dma_semaphore, #tpu.memory_space<semaphore_mem>>) src(%dma_wait3A_156 : memref<1000000xf32, #tpu.memory_space<hbm>>) dst(%dma_wait3A_152 : memref<128xf32, #tpu.memory_space<vmem>>)
    %dma_wait3A_157 = arith.constant 256 : i32
    %dma_wait3A_158 = tpu.memref_slice %arg17[%dma_wait3A_157] : memref<512xf32, #tpu.memory_space<vmem>> -> memref<128xf32, #tpu.memory_space<vmem>>
    %dma_wait3A_159 = arith.constant 256 : i32
    %dma_wait3A_160 = tpu.memref_slice %arg13[%dma_wait3A_159] : memref<512xi32, #tpu.memory_space<vmem>> -> memref<128xi32, #tpu.memory_space<vmem>>
    %dma_wait3A_161 = arith.constant 0 : i32
    %dma_wait3A_162 = tpu.memref_slice %arg6[%dma_wait3A_161] : memref<1000000xf32, #tpu.memory_space<hbm>> -> memref<1000000xf32, #tpu.memory_space<hbm>>
    tpu.wait_indirect_dma semaphore(%arg26 : memref<!tpu.dma_semaphore, #tpu.memory_space<semaphore_mem>>) src(%dma_wait3A_162 : memref<1000000xf32, #tpu.memory_space<hbm>>) dst(%dma_wait3A_158 : memref<128xf32, #tpu.memory_space<vmem>>)
    %dma_wait3A_163 = arith.constant 256 : i32
    %dma_wait3A_164 = tpu.memref_slice %arg18[%dma_wait3A_163] : memref<512xf32, #tpu.memory_space<vmem>> -> memref<128xf32, #tpu.memory_space<vmem>>
    %dma_wait3A_165 = arith.constant 256 : i32
    %dma_wait3A_166 = tpu.memref_slice %arg13[%dma_wait3A_165] : memref<512xi32, #tpu.memory_space<vmem>> -> memref<128xi32, #tpu.memory_space<vmem>>
    %dma_wait3A_167 = arith.constant 0 : i32
    %dma_wait3A_168 = tpu.memref_slice %arg7[%dma_wait3A_167] : memref<1000000xf32, #tpu.memory_space<hbm>> -> memref<1000000xf32, #tpu.memory_space<hbm>>
    tpu.wait_indirect_dma semaphore(%arg26 : memref<!tpu.dma_semaphore, #tpu.memory_space<semaphore_mem>>) src(%dma_wait3A_168 : memref<1000000xf32, #tpu.memory_space<hbm>>) dst(%dma_wait3A_164 : memref<128xf32, #tpu.memory_space<vmem>>)
    %dma_wait3A_169 = arith.constant 256 : i32
    %dma_wait3A_170 = tpu.memref_slice %arg19[%dma_wait3A_169] : memref<512xf32, #tpu.memory_space<vmem>> -> memref<128xf32, #tpu.memory_space<vmem>>
    %dma_wait3A_171 = arith.constant 256 : i32
    %dma_wait3A_172 = tpu.memref_slice %arg13[%dma_wait3A_171] : memref<512xi32, #tpu.memory_space<vmem>> -> memref<128xi32, #tpu.memory_space<vmem>>
    %dma_wait3A_173 = arith.constant 0 : i32
    %dma_wait3A_174 = tpu.memref_slice %arg8[%dma_wait3A_173] : memref<1000000xf32, #tpu.memory_space<hbm>> -> memref<1000000xf32, #tpu.memory_space<hbm>>
    tpu.wait_indirect_dma semaphore(%arg26 : memref<!tpu.dma_semaphore, #tpu.memory_space<semaphore_mem>>) src(%dma_wait3A_174 : memref<1000000xf32, #tpu.memory_space<hbm>>) dst(%dma_wait3A_170 : memref<128xf32, #tpu.memory_space<vmem>>)
    %dma_wait3A_175 = arith.constant 256 : i32
    %dma_wait3A_176 = tpu.memref_slice %arg20[%dma_wait3A_175] : memref<512xf32, #tpu.memory_space<vmem>> -> memref<128xf32, #tpu.memory_space<vmem>>
    %dma_wait3A_177 = arith.constant 256 : i32
    %dma_wait3A_178 = tpu.memref_slice %arg13[%dma_wait3A_177] : memref<512xi32, #tpu.memory_space<vmem>> -> memref<128xi32, #tpu.memory_space<vmem>>
    %dma_wait3A_179 = arith.constant 0 : i32
    %dma_wait3A_180 = tpu.memref_slice %arg9[%dma_wait3A_179] : memref<1000000xf32, #tpu.memory_space<hbm>> -> memref<1000000xf32, #tpu.memory_space<hbm>>
    tpu.wait_indirect_dma semaphore(%arg26 : memref<!tpu.dma_semaphore, #tpu.memory_space<semaphore_mem>>) src(%dma_wait3A_180 : memref<1000000xf32, #tpu.memory_space<hbm>>) dst(%dma_wait3A_176 : memref<128xf32, #tpu.memory_space<vmem>>)
    %dma_wait3A_181 = arith.constant 384 : i32
    %dma_wait3A_182 = tpu.memref_slice %arg17[%dma_wait3A_181] : memref<512xf32, #tpu.memory_space<vmem>> -> memref<128xf32, #tpu.memory_space<vmem>>
    %dma_wait3A_183 = arith.constant 384 : i32
    %dma_wait3A_184 = tpu.memref_slice %arg13[%dma_wait3A_183] : memref<512xi32, #tpu.memory_space<vmem>> -> memref<128xi32, #tpu.memory_space<vmem>>
    %dma_wait3A_185 = arith.constant 0 : i32
    %dma_wait3A_186 = tpu.memref_slice %arg6[%dma_wait3A_185] : memref<1000000xf32, #tpu.memory_space<hbm>> -> memref<1000000xf32, #tpu.memory_space<hbm>>
    tpu.wait_indirect_dma semaphore(%arg27 : memref<!tpu.dma_semaphore, #tpu.memory_space<semaphore_mem>>) src(%dma_wait3A_186 : memref<1000000xf32, #tpu.memory_space<hbm>>) dst(%dma_wait3A_182 : memref<128xf32, #tpu.memory_space<vmem>>)
    %dma_wait3A_187 = arith.constant 384 : i32
    %dma_wait3A_188 = tpu.memref_slice %arg18[%dma_wait3A_187] : memref<512xf32, #tpu.memory_space<vmem>> -> memref<128xf32, #tpu.memory_space<vmem>>
    %dma_wait3A_189 = arith.constant 384 : i32
    %dma_wait3A_190 = tpu.memref_slice %arg13[%dma_wait3A_189] : memref<512xi32, #tpu.memory_space<vmem>> -> memref<128xi32, #tpu.memory_space<vmem>>
    %dma_wait3A_191 = arith.constant 0 : i32
    %dma_wait3A_192 = tpu.memref_slice %arg7[%dma_wait3A_191] : memref<1000000xf32, #tpu.memory_space<hbm>> -> memref<1000000xf32, #tpu.memory_space<hbm>>
    tpu.wait_indirect_dma semaphore(%arg27 : memref<!tpu.dma_semaphore, #tpu.memory_space<semaphore_mem>>) src(%dma_wait3A_192 : memref<1000000xf32, #tpu.memory_space<hbm>>) dst(%dma_wait3A_188 : memref<128xf32, #tpu.memory_space<vmem>>)
    %dma_wait3A_193 = arith.constant 384 : i32
    %dma_wait3A_194 = tpu.memref_slice %arg19[%dma_wait3A_193] : memref<512xf32, #tpu.memory_space<vmem>> -> memref<128xf32, #tpu.memory_space<vmem>>
    %dma_wait3A_195 = arith.constant 384 : i32
    %dma_wait3A_196 = tpu.memref_slice %arg13[%dma_wait3A_195] : memref<512xi32, #tpu.memory_space<vmem>> -> memref<128xi32, #tpu.memory_space<vmem>>
    %dma_wait3A_197 = arith.constant 0 : i32
    %dma_wait3A_198 = tpu.memref_slice %arg8[%dma_wait3A_197] : memref<1000000xf32, #tpu.memory_space<hbm>> -> memref<1000000xf32, #tpu.memory_space<hbm>>
    tpu.wait_indirect_dma semaphore(%arg27 : memref<!tpu.dma_semaphore, #tpu.memory_space<semaphore_mem>>) src(%dma_wait3A_198 : memref<1000000xf32, #tpu.memory_space<hbm>>) dst(%dma_wait3A_194 : memref<128xf32, #tpu.memory_space<vmem>>)
    %dma_wait3A_199 = arith.constant 384 : i32
    %dma_wait3A_200 = tpu.memref_slice %arg20[%dma_wait3A_199] : memref<512xf32, #tpu.memory_space<vmem>> -> memref<128xf32, #tpu.memory_space<vmem>>
    %dma_wait3A_201 = arith.constant 384 : i32
    %dma_wait3A_202 = tpu.memref_slice %arg13[%dma_wait3A_201] : memref<512xi32, #tpu.memory_space<vmem>> -> memref<128xi32, #tpu.memory_space<vmem>>
    %dma_wait3A_203 = arith.constant 0 : i32
    %dma_wait3A_204 = tpu.memref_slice %arg9[%dma_wait3A_203] : memref<1000000xf32, #tpu.memory_space<hbm>> -> memref<1000000xf32, #tpu.memory_space<hbm>>
    tpu.wait_indirect_dma semaphore(%arg27 : memref<!tpu.dma_semaphore, #tpu.memory_space<semaphore_mem>>) src(%dma_wait3A_204 : memref<1000000xf32, #tpu.memory_space<hbm>>) dst(%dma_wait3A_200 : memref<128xf32, #tpu.memory_space<vmem>>)
    %parallel_loop3A = arith.constant 0 : i32
    %parallel_loop3A_205 = arith.constant 32 : i32
    %parallel_loop3A_206 = arith.constant 1 : i32
    scf.for %parallel_loop3A_219 = %parallel_loop3A to %parallel_loop3A_205 step %parallel_loop3A_206  : i32 {
      %parallel_loop3A_220 = arith.constant 16 : i32
      %parallel_loop3A_221 = arith.muli %parallel_loop3A_219, %parallel_loop3A_220 : i32
      %parallel_loop3A_222 = arith.index_cast %parallel_loop3A_221 : i32 to index
      %parallel_loop3A_223 = tpu.vector_load %arg17[%parallel_loop3A_222] {strides = array<i32>} : memref<512xf32, #tpu.memory_space<vmem>>, vector<16xf32>,
      %parallel_loop3A_224 = vector.shape_cast %parallel_loop3A_223 : vector<16xf32> to vector<16xf32>
      %parallel_loop3A_225 = arith.constant 0.000000e+00 : f32
      %parallel_loop3A_226 = vector.broadcast %parallel_loop3A_225 : f32 to vector<16xf32>
      %parallel_loop3A_227 = arith.subf %parallel_loop3A_226, %parallel_loop3A_224 : vector<16xf32>
      %parallel_loop3A_228 = math.exp %parallel_loop3A_227 : vector<16xf32>
      %parallel_loop3A_229 = arith.index_cast %parallel_loop3A_221 : i32 to index
      %parallel_loop3A_230 = tpu.vector_load %arg18[%parallel_loop3A_229] {strides = array<i32>} : memref<512xf32, #tpu.memory_space<vmem>>, vector<16xf32>,
      %parallel_loop3A_231 = vector.shape_cast %parallel_loop3A_230 : vector<16xf32> to vector<16xf32>
      %parallel_loop3A_232 = arith.constant 0.000000e+00 : f32
      %parallel_loop3A_233 = vector.broadcast %parallel_loop3A_232 : f32 to vector<16xf32>
      %parallel_loop3A_234 = arith.subf %parallel_loop3A_233, %parallel_loop3A_231 : vector<16xf32>
      %parallel_loop3A_235 = math.exp %parallel_loop3A_234 : vector<16xf32>
      %parallel_loop3A_236 = arith.index_cast %parallel_loop3A_221 : i32 to index
      %parallel_loop3A_237 = tpu.vector_load %arg19[%parallel_loop3A_236] {strides = array<i32>} : memref<512xf32, #tpu.memory_space<vmem>>, vector<16xf32>,
      %parallel_loop3A_238 = vector.shape_cast %parallel_loop3A_237 : vector<16xf32> to vector<16xf32>
      %parallel_loop3A_239 = arith.constant 0.000000e+00 : f32
      %parallel_loop3A_240 = vector.broadcast %parallel_loop3A_239 : f32 to vector<16xf32>
      %parallel_loop3A_241 = arith.subf %parallel_loop3A_240, %parallel_loop3A_238 : vector<16xf32>
      %parallel_loop3A_242 = math.exp %parallel_loop3A_241 : vector<16xf32>
      %parallel_loop3A_243 = arith.index_cast %parallel_loop3A_221 : i32 to index
      %parallel_loop3A_244 = tpu.vector_load %arg20[%parallel_loop3A_243] {strides = array<i32>} : memref<512xf32, #tpu.memory_space<vmem>>, vector<16xf32>,
      %parallel_loop3A_245 = vector.shape_cast %parallel_loop3A_244 : vector<16xf32> to vector<16xf32>
      %parallel_loop3A_246 = arith.constant 0.000000e+00 : f32
      %parallel_loop3A_247 = vector.broadcast %parallel_loop3A_246 : f32 to vector<16xf32>
      %parallel_loop3A_248 = arith.subf %parallel_loop3A_247, %parallel_loop3A_245 : vector<16xf32>
      %parallel_loop3A_249 = math.exp %parallel_loop3A_248 : vector<16xf32>
      %parallel_loop3A_250 = arith.constant 1.000000e+00 : f32
      %parallel_loop3A_251 = vector.broadcast %parallel_loop3A_250 : f32 to vector<16xf32>
      %parallel_loop3A_252 = arith.addf %parallel_loop3A_251, %parallel_loop3A_228 : vector<16xf32>
      %parallel_loop3A_253 = arith.constant 1.000000e+00 : f32
      %parallel_loop3A_254 = vector.broadcast %parallel_loop3A_253 : f32 to vector<16xf32>
      %parallel_loop3A_255 = arith.addf %parallel_loop3A_254, %parallel_loop3A_235 : vector<16xf32>
      %parallel_loop3A_256 = arith.constant 1.000000e+00 : f32
      %parallel_loop3A_257 = vector.broadcast %parallel_loop3A_256 : f32 to vector<16xf32>
      %parallel_loop3A_258 = arith.addf %parallel_loop3A_257, %parallel_loop3A_242 : vector<16xf32>
      %parallel_loop3A_259 = arith.constant 1.000000e+00 : f32
      %parallel_loop3A_260 = vector.broadcast %parallel_loop3A_259 : f32 to vector<16xf32>
      %parallel_loop3A_261 = arith.addf %parallel_loop3A_260, %parallel_loop3A_249 : vector<16xf32>
      %parallel_loop3A_262 = arith.index_cast %parallel_loop3A_221 : i32 to index
      %parallel_loop3A_263 = tpu.vector_load %arg14[%parallel_loop3A_262] {strides = array<i32>} : memref<512xf32, #tpu.memory_space<vmem>>, vector<16xf32>,
      %parallel_loop3A_264 = vector.shape_cast %parallel_loop3A_263 : vector<16xf32> to vector<16xf32>
      %parallel_loop3A_265 = arith.constant 0.000000e+00 : f32
      %parallel_loop3A_266 = vector.broadcast %parallel_loop3A_265 : f32 to vector<16xf32>
      %parallel_loop3A_267 = arith.cmpf one, %parallel_loop3A_264, %parallel_loop3A_266 : vector<16xf32>
      %parallel_loop3A_268 = arith.mulf %parallel_loop3A_249, %parallel_loop3A_258 : vector<16xf32>
      %parallel_loop3A_269 = arith.select %parallel_loop3A_267, %parallel_loop3A_268, %parallel_loop3A_258 : vector<16xi1>, vector<16xf32>
      %parallel_loop3A_270 = arith.mulf %parallel_loop3A_242, %parallel_loop3A_261 : vector<16xf32>
      %parallel_loop3A_271 = arith.select %parallel_loop3A_267, %parallel_loop3A_261, %parallel_loop3A_270 : vector<16xi1>, vector<16xf32>
      %parallel_loop3A_272 = arith.index_cast %parallel_loop3A_221 : i32 to index
      %parallel_loop3A_273 = tpu.vector_load %arg15[%parallel_loop3A_272] {strides = array<i32>} : memref<512xf32, #tpu.memory_space<vmem>>, vector<16xf32>,
      %parallel_loop3A_274 = vector.shape_cast %parallel_loop3A_273 : vector<16xf32> to vector<16xf32>
      %parallel_loop3A_275 = arith.mulf %parallel_loop3A_271, %parallel_loop3A_274 : vector<16xf32>
      %parallel_loop3A_276 = arith.index_cast %parallel_loop3A_221 : i32 to index
      %parallel_loop3A_277 = tpu.vector_load %arg16[%parallel_loop3A_276] {strides = array<i32>} : memref<512xf32, #tpu.memory_space<vmem>>, vector<16xf32>,
      %parallel_loop3A_278 = vector.shape_cast %parallel_loop3A_277 : vector<16xf32> to vector<16xf32>
      %parallel_loop3A_279 = arith.mulf %parallel_loop3A_269, %parallel_loop3A_278 : vector<16xf32>
      %parallel_loop3A_280 = arith.mulf %parallel_loop3A_258, %parallel_loop3A_261 : vector<16xf32>
      %parallel_loop3A_281 = arith.mulf %parallel_loop3A_252, %parallel_loop3A_255 : vector<16xf32>
      %parallel_loop3A_282 = arith.addf %parallel_loop3A_279, %parallel_loop3A_275 : vector<16xf32>
      %parallel_loop3A_283 = arith.constant 9.99999993E-9 : f32
      %parallel_loop3A_284 = vector.broadcast %parallel_loop3A_283 : f32 to vector<16xf32>
      %parallel_loop3A_285 = arith.mulf %parallel_loop3A_284, %parallel_loop3A_280 : vector<16xf32>
      %parallel_loop3A_286 = arith.addf %parallel_loop3A_282, %parallel_loop3A_285 : vector<16xf32>
      %parallel_loop3A_287 = arith.mulf %parallel_loop3A_281, %parallel_loop3A_286 : vector<16xf32>
      %parallel_loop3A_288 = arith.mulf %parallel_loop3A_235, %parallel_loop3A_252 : vector<16xf32>
      %parallel_loop3A_289 = arith.mulf %parallel_loop3A_288, %parallel_loop3A_279 : vector<16xf32>
      %parallel_loop3A_290 = arith.mulf %parallel_loop3A_255, %parallel_loop3A_275 : vector<16xf32>
      %parallel_loop3A_291 = arith.addf %parallel_loop3A_289, %parallel_loop3A_290 : vector<16xf32>
      %parallel_loop3A_292 = arith.mulf %parallel_loop3A_287, %parallel_loop3A_280 : vector<16xf32>
      %parallel_loop3A_293 = arith.constant 1.000000e+00 : f32
      %parallel_loop3A_294 = vector.broadcast %parallel_loop3A_293 : f32 to vector<16xf32>
      %parallel_loop3A_295 = arith.divf %parallel_loop3A_294, %parallel_loop3A_292 : vector<16xf32>
      %parallel_loop3A_296 = arith.mulf %parallel_loop3A_295, %parallel_loop3A_280 : vector<16xf32>
      %parallel_loop3A_297 = arith.mulf %parallel_loop3A_281, %parallel_loop3A_282 : vector<16xf32>
      %parallel_loop3A_298 = arith.mulf %parallel_loop3A_291, %parallel_loop3A_296 : vector<16xf32>
      %parallel_loop3A_299 = arith.index_cast %parallel_loop3A_221 : i32 to index
      %parallel_loop3A_300 = tpu.vector_load %arg22[%parallel_loop3A_299] {strides = array<i32>} : memref<512xf32, #tpu.memory_space<vmem>>, vector<16xf32>,
      %parallel_loop3A_301 = vector.shape_cast %parallel_loop3A_300 : vector<16xf32> to vector<16xf32>
      %parallel_loop3A_302 = vector.shape_cast %parallel_loop3A_298 : vector<16xf32> to vector<16xf32>
      tpu.vector_store %arg22[%parallel_loop3A_299], %parallel_loop3A_302 {strides = array<i32>} : memref<512xf32, #tpu.memory_space<vmem>>, vector<16xf32>,
      %parallel_loop3A_303 = arith.mulf %parallel_loop3A_297, %parallel_loop3A_296 : vector<16xf32>
      %parallel_loop3A_304 = arith.subf %parallel_loop3A_303, %parallel_loop3A_298 : vector<16xf32>
      %parallel_loop3A_305 = arith.index_cast %parallel_loop3A_221 : i32 to index
      %parallel_loop3A_306 = tpu.vector_load %arg21[%parallel_loop3A_305] {strides = array<i32>} : memref<512xf32, #tpu.memory_space<vmem>>, vector<16xf32>,
      %parallel_loop3A_307 = vector.shape_cast %parallel_loop3A_306 : vector<16xf32> to vector<16xf32>
      %parallel_loop3A_308 = vector.shape_cast %parallel_loop3A_304 : vector<16xf32> to vector<16xf32>
      tpu.vector_store %arg21[%parallel_loop3A_305], %parallel_loop3A_308 {strides = array<i32>} : memref<512xf32, #tpu.memory_space<vmem>>, vector<16xf32>,
      %parallel_loop3A_309 = arith.subf %parallel_loop3A_297, %parallel_loop3A_291 : vector<16xf32>
      %parallel_loop3A_310 = arith.mulf %parallel_loop3A_249, %parallel_loop3A_258 : vector<16xf32>
      %parallel_loop3A_311 = arith.mulf %parallel_loop3A_310, %parallel_loop3A_291 : vector<16xf32>
      %parallel_loop3A_312 = arith.mulf %parallel_loop3A_261, %parallel_loop3A_309 : vector<16xf32>
      %parallel_loop3A_313 = arith.addf %parallel_loop3A_311, %parallel_loop3A_312 : vector<16xf32>
      %parallel_loop3A_314 = arith.mulf %parallel_loop3A_313, %parallel_loop3A_295 : vector<16xf32>
      %parallel_loop3A_315 = arith.index_cast %parallel_loop3A_221 : i32 to index
      %parallel_loop3A_316 = tpu.vector_load %arg23[%parallel_loop3A_315] {strides = array<i32>} : memref<512xf32, #tpu.memory_space<vmem>>, vector<16xf32>,
      %parallel_loop3A_317 = vector.shape_cast %parallel_loop3A_316 : vector<16xf32> to vector<16xf32>
      %parallel_loop3A_318 = vector.shape_cast %parallel_loop3A_314 : vector<16xf32> to vector<16xf32>
      tpu.vector_store %arg23[%parallel_loop3A_315], %parallel_loop3A_318 {strides = array<i32>} : memref<512xf32, #tpu.memory_space<vmem>>, vector<16xf32>,
    } {sc.loop_unroll_factor = 2 : i64, sc.parallel_access}
    %dma_start3A_207 = tpu.memref_slice %arg10[%mul3A_2] : memref<16384xf32, #tpu.memory_space<hbm>> -> memref<512xf32, #tpu.memory_space<hbm>>
    %dma_start3A_208 = tpu.memref_slice %arg10[%mul3A_2] : memref<16384xf32, #tpu.memory_space<hbm>> -> memref<512xf32, #tpu.memory_space<hbm>>
    tpu.enqueue_dma source(%arg21 : memref<512xf32, #tpu.memory_space<vmem>>) target(%dma_start3A_208 : memref<512xf32, #tpu.memory_space<hbm>>) target_semaphore(%arg28 : memref<!tpu.dma_semaphore, #tpu.memory_space<semaphore_mem>>)
    %dma_start3A_209 = tpu.memref_slice %arg11[%mul3A_2] : memref<16384xf32, #tpu.memory_space<hbm>> -> memref<512xf32, #tpu.memory_space<hbm>>
    %dma_start3A_210 = tpu.memref_slice %arg11[%mul3A_2] : memref<16384xf32, #tpu.memory_space<hbm>> -> memref<512xf32, #tpu.memory_space<hbm>>
    tpu.enqueue_dma source(%arg22 : memref<512xf32, #tpu.memory_space<vmem>>) target(%dma_start3A_210 : memref<512xf32, #tpu.memory_space<hbm>>) target_semaphore(%arg28 : memref<!tpu.dma_semaphore, #tpu.memory_space<semaphore_mem>>)
    %dma_start3A_211 = tpu.memref_slice %arg12[%mul3A_2] : memref<16384xf32, #tpu.memory_space<hbm>> -> memref<512xf32, #tpu.memory_space<hbm>>
    %dma_start3A_212 = tpu.memref_slice %arg12[%mul3A_2] : memref<16384xf32, #tpu.memory_space<hbm>> -> memref<512xf32, #tpu.memory_space<hbm>>
    tpu.enqueue_dma source(%arg23 : memref<512xf32, #tpu.memory_space<vmem>>) target(%dma_start3A_212 : memref<512xf32, #tpu.memory_space<hbm>>) target_semaphore(%arg28 : memref<!tpu.dma_semaphore, #tpu.memory_space<semaphore_mem>>)
    %dma_wait3A_213 = tpu.memref_slice %arg10[%mul3A_2] : memref<16384xf32, #tpu.memory_space<hbm>> -> memref<512xf32, #tpu.memory_space<hbm>>
    %dma_wait3A_214 = tpu.memref_slice %arg10[%mul3A_2] : memref<16384xf32, #tpu.memory_space<hbm>> -> memref<512xf32, #tpu.memory_space<hbm>>
    tpu.wait_dma2 semaphore(%arg28 : memref<!tpu.dma_semaphore, #tpu.memory_space<semaphore_mem>>) src(%arg21 : memref<512xf32, #tpu.memory_space<vmem>>) dst(%dma_wait3A_214 : memref<512xf32, #tpu.memory_space<hbm>>)
    %dma_wait3A_215 = tpu.memref_slice %arg11[%mul3A_2] : memref<16384xf32, #tpu.memory_space<hbm>> -> memref<512xf32, #tpu.memory_space<hbm>>
    %dma_wait3A_216 = tpu.memref_slice %arg11[%mul3A_2] : memref<16384xf32, #tpu.memory_space<hbm>> -> memref<512xf32, #tpu.memory_space<hbm>>
    tpu.wait_dma2 semaphore(%arg28 : memref<!tpu.dma_semaphore, #tpu.memory_space<semaphore_mem>>) src(%arg22 : memref<512xf32, #tpu.memory_space<vmem>>) dst(%dma_wait3A_216 : memref<512xf32, #tpu.memory_space<hbm>>)
    %dma_wait3A_217 = tpu.memref_slice %arg12[%mul3A_2] : memref<16384xf32, #tpu.memory_space<hbm>> -> memref<512xf32, #tpu.memory_space<hbm>>
    %dma_wait3A_218 = tpu.memref_slice %arg12[%mul3A_2] : memref<16384xf32, #tpu.memory_space<hbm>> -> memref<512xf32, #tpu.memory_space<hbm>>
    tpu.wait_dma2 semaphore(%arg28 : memref<!tpu.dma_semaphore, #tpu.memory_space<semaphore_mem>>) src(%arg23 : memref<512xf32, #tpu.memory_space<vmem>>) dst(%dma_wait3A_218 : memref<512xf32, #tpu.memory_space<hbm>>)
    return
  }
}

</mosaic_0001>

<sc_bundles>
// kernel: kernel.3.cloned.1.call-start
scs
__scs_entry_jumppad:
0x0: {  	(pc) =	sbr.rel $0x88, $3  }
0x1: {  	(tag) =	ssettag $0x0;
	lr =	simm.s32 $0x1  }
0x2: {  	[smem:$0x3F9A] =	sst lr;
	_ =	strace $0xD0000000  }
0x3: {  	_ = 	snop  }
0x4: {  	_ = 	snop  }
0x5: {  	_ = 	snop  }
0x6: {  	_ = 	snop  }
0x7: {  	_ = 	snop  }
__scs_overlays_trampoline_lowered:
0x8: {  	[smem:$0x3FA9] =	sst s0  }
0x9: {  	[smem:$0x3FAA] =	sst s1  }
0xa: {  	[smem:$0x3FAB] =	sst s2  }
0xb: {  	[smem:$0x3FAC] =	sst s3  }
0xc: {  	[smem:$0x3FAD] =	sst s4  }
0xd: {  	[smem:$0x3FAE] =	sst s5  }
0xe: {  	[smem:$0x3FAF] =	sst s6  }
0xf: {  	[smem:$0x3FB0] =	sst s7  }
0x10: {  	[smem:$0x3FB1] =	sst s8  }
0x11: {  	[smem:$0x3FB2] =	sst s9;
	s0 =	simm.s32 @!p0 $0x0  }
0x12: {  	s1 =	sld [smem:$0x3F98];
	s0 =	simm.s32 @p0 $0x1  }
0x13: {  	[smem:$0x3FB3] =	sst s0;
	s0 =	simm.s32 @!p1 $0x0  }
0x14: {  	s2 =	sld [smem:$0x3F97];
	s0 =	simm.s32 @p1 $0x1  }
0x15: {  	[smem:$0x3FB4] =	sst s0;
	s0 =	simm.s32 @!p2 $0x0  }
0x16: {  	s3 =	sld [smem:$0x3FDB];
	s0 =	simm.s32 @p2 $0x1  }
0x17: {  	s4 =	simm.s32 $0x1BF5;
	[smem:$0x3FB6] =	sst s0  }
0x18: {  	s0 =	sld [smem:$0x3F99];
	_ =	swait.ge [sflag:s4], $0x0  }
0x19: {  	s7 =	sld [smem:$0x3F9A]  }
0x1a: {  	s8 =	sadd.s32 $0xFFFFE003, lr  }
0x1b: {  	s9 =	sadd.s32 $0xFFFFFEF7, lr;
	s5 =	simm.s32 $0xFFFFFFFF;
	p2 =	slt.u32 s8, $0xFFFFF086  }
0x1c: {  	p1 =	slt.u32 s9, $0xF7A;
	s5 =	simm.s32 @!p2 $0x0  }
0x1d: {  	s5 =	simm.s32 @p1 $0x1;
	p0 =	seq.s32 s7, s2  }
0x1e: {  	s7 =	smul.u32 @!p0 $0xF7A, s2;
	p2 =	seq.s32 @!p0 s5, $0x0  }
0x1f: {  	s9 =	smul.u32 $0xF7A, s1;
	s8 =	simm.s32 @!p0 $0x1BF5;
	p2 =	por !p2, p0  }
0x20: {  	[sflag:s8] =	ssyncset.s32 @!p0 $0xFFFFF086;
	s6 =	sadd.s32 @!p0 s3, s7;
	s7 =	simm.s32 @!p0 $0x108  }
0x21: {  	s3 =	sadd.s32 s3, s9;
	s6 =	sadd.s32 @!p0 $0x88, s6;
	s7 =	simm.s32 @p2 $0x1082  }
0x22: {  	[simem:s7], [sflag:s8] =	dma.local @!p0 [hbm:s6], $0xF7A  }
0x23: {  	s9 =	sor.u32 $0xD0000000, s2;
	s6 =	simm.s32 $0x108;
	_ =	swait.ge @!p0 [sflag:s8], $0x0  }
0x24: {  	s3 =	sadd.s32 $0x88, s3;
	s6 =	simm.s32 @!p1 $0x1082;
	[sflag:s4] =	ssyncset.s32 $0xFFFFF086  }
0x25: {  	[simem:s6], [sflag:s4] =	dma.local [hbm:s3], $0xF7A  }
0x26: {  	[smem:$0x3F9A] =	sst s1;
	(tag) =	ssettag s2;
	_ =	strace s9  }
0x27: {  	s1 =	sld [smem:$0x3FAA]  }
0x28: {  	s2 =	sld [smem:$0x3FAB]  }
0x29: {  	s4 =	sld [smem:$0x3FAD]  }
0x2a: {  	p0 =	seq.s32 s5, $0x0;
	s5 =	sld [smem:$0x3FAE]  }
0x2b: {  	s6 =	sld [smem:$0x3FAF]  }
0x2c: {  	s7 =	sld [smem:$0x3FB0]  }
0x2d: {  	s3 =	simm.s32 $0x108;
	s8 =	sld [smem:$0x3FB1]  }
0x2e: {  	s3 =	simm.s32 @!p0 $0x1082;
	s9 =	sld [smem:$0x3FB2]  }
0x2f: {  	lr =	sadd.s32 s0, s3;
	s0 =	sld [smem:$0x3FA9]  }
0x30: {  	s3 =	sld [smem:$0x3FAC]  }
0x31: {  	[smem:$0x3FB5] =	sst s10  }
0x32: {  	s10 =	sld [smem:$0x3FB3];
	_ =	sdelay $0x3  }
0x33: {  	p0 =	seq.s32 s10, $0x1;
	s10 =	sld [smem:$0x3FB5];
	_ =	sdelay $0x3  }
0x34: {  	[smem:$0x3FB5] =	sst s10  }
0x35: {  	s10 =	sld [smem:$0x3FB4];
	_ =	sdelay $0x3  }
0x36: {  	p1 =	seq.s32 s10, $0x1;
	s10 =	sld [smem:$0x3FB5];
	_ =	sdelay $0x3  }
0x37: {  	[smem:$0x3FB5] =	sst s10  }
0x38: {  	s10 =	sld [smem:$0x3FB6]  }
0x39: {  	_ = 	snop;
	(pc) =	sbr.ind lr, $3  }
0x3a: {  	_ = 	snop  }
0x3b: {  	_ = 	snop  }
0x3c: {  	p2 =	seq.s32 s10, $0x1;
	s10 =	sld [smem:$0x3FB5]  }
0x3d: {  	_ =	shalt  }
0x3e: {  	_ =	shalt  }
0x3f: {  	_ =	shalt  }
0x40: {  	_ =	shalt  }
0x41: {  	_ =	shalt  }
0x42: {  	_ =	shalt  }
0x43: {  	_ =	shalt  }
0x44: {  	_ =	shalt  }
0x45: {  	_ =	shalt  }
0x46: {  	_ =	shalt  }
0x47: {  	_ =	shalt  }
0x48: {  	_ =	shalt  }
0x49: {  	_ =	shalt  }
0x4a: {  	_ =	shalt  }
0x4b: {  	_ =	shalt  }
0x4c: {  	_ =	shalt  }
0x4d: {  	_ =	shalt  }
0x4e: {  	_ =	shalt  }
0x4f: {  	_ =	shalt  }
0x50: {  	_ =	shalt  }
0x51: {  	_ =	shalt  }
0x52: {  	_ =	shalt  }
0x53: {  	_ =	shalt  }
0x54: {  	_ =	shalt  }
0x55: {  	_ =	shalt  }
0x56: {  	_ =	shalt  }
0x57: {  	_ =	shalt  }
0x58: {  	_ =	shalt  }
0x59: {  	_ =	shalt  }
0x5a: {  	_ =	shalt  }
0x5b: {  	_ =	shalt  }
0x5c: {  	_ =	shalt  }
0x5d: {  	_ =	shalt  }
0x5e: {  	_ =	shalt  }
0x5f: {  	_ =	shalt  }
0x60: {  	_ =	shalt  }
0x61: {  	_ =	shalt  }
0x62: {  	_ =	shalt  }
0x63: {  	_ =	shalt  }
0x64: {  	_ =	shalt  }
0x65: {  	_ =	shalt  }
0x66: {  	_ =	shalt  }
0x67: {  	_ =	shalt  }
0x68: {  	_ =	shalt  }
0x69: {  	_ =	shalt  }
0x6a: {  	_ =	shalt  }
0x6b: {  	_ =	shalt  }
0x6c: {  	_ =	shalt  }
0x6d: {  	_ =	shalt  }
0x6e: {  	_ =	shalt  }
0x6f: {  	_ =	shalt  }
0x70: {  	_ =	shalt  }
0x71: {  	_ =	shalt  }
0x72: {  	_ =	shalt  }
0x73: {  	_ =	shalt  }
0x74: {  	_ =	shalt  }
0x75: {  	_ =	shalt  }
0x76: {  	_ =	shalt  }
0x77: {  	_ =	shalt  }
0x78: {  	_ =	shalt  }
0x79: {  	_ =	shalt  }
0x7a: {  	_ =	shalt  }
0x7b: {  	_ =	shalt  }
0x7c: {  	_ =	shalt  }
0x7d: {  	_ =	shalt  }
0x7e: {  	_ =	shalt  }
0x7f: {  	_ =	shalt  }
0x80: {  	_ =	shalt  }
0x81: {  	_ =	shalt  }
0x82: {  	_ =	shalt  }
0x83: {  	_ =	shalt  }
0x84: {  	_ =	shalt  }
0x85: {  	_ =	shalt  }
0x86: {  	_ =	shalt  }
0x87: {  	_ =	shalt  }
.Lfunc_end0:
.L_simem_size_0:
called_computation_lowered:
.L_overlay_start_0:
0x88: {  	s2 =	sld [smem:$0x3FD9]  }
0x89: {  	s3 =	sld [smem:$0x3FFE];
	_ =	sdelay $0x1  }
0x8a: {  	s1 =	srdreg.scid  }
0x8b: {  	s0 =	sand.u32 $0x1, s1  }
0x8c: {  	s14 =	sshll.u32 s0, $0xA;
	s2 =	sadd.s32 s3, s2  }
0x8d: {  	s2 =	sadd.s32 s2, s14  }
0x8e: {  	[smem:$0x3FC1] =	sst s2  }
0x8f: {  	_ = 	snop  }
0x90: {  	s2 =	sld [smem:$0x3FC8]  }
0x91: {  	s15 =	sld [smem:$0x3FC7]  }
0x92: {  	s4 =	sld [smem:$0x3FC6]  }
0x93: {  	s5 =	sld [smem:$0x3FD0]  }
0x94: {  	s6 =	sld [smem:$0x3FC5]  }
0x95: {  	s7 =	sld [smem:$0x3FC4]  }
0x96: {  	s9 =	simm.s32 $0xA;
	s10 =	simm.s32 $0x10;
	s8 =	sld [smem:$0x3FC3]  }
0x97: {  	[smem:s10], [sflag:s9] =	dma.local [hbm:s5], $0x1  }
0x98: {  	_ =	swait.eq [sflag:s9], $0x1  }
0x99: {  	[sflag:s9] =	ssyncset.done $0x0  }
0x9a: {  	s16 =	sld [smem:$0x10];
	[sflag:s9] =	ssyncadd.s32 $0xFFFFFFFF  }
0x9b: {  	s17 =	sld [smem:$0x11];
	(tm) =	ssettm $0x1  }
0x9c: {  	s18 =	sld [smem:$0x3FFB];
	_ =	sdelay $0x3  }
0x9d: {  	_ =	strace s18  }
0x9e: {  	s10 =	sld [smem:$0x3FFC];
	_ =	sdelay $0x3  }
0x9f: {  	_ =	strace s10  }
0xa0: {  	s10 =	sld [smem:$0x3FFD];
	_ =	sdelay $0x3  }
0xa1: {  	_ =	strace s10  }
0xa2: {  	_ =	strace $0x8FFFFFFF  }
0xa3: {  	s19 =	sld [smem:$0x3FDB];
	_ =	sdelay $0x1  }
0xa4: {  	s11 =	simm.s32 $_scs_section_size  }
0xa5: {  	s12 =	simm.s32 $_size__tile_overlayer_lowered;
	s13 =	simm.s32 $_tile_overlayer_lowered  }
0xa6: {  	s22 =	simm.s32 $0x1BFF;
	s21 =	sshll.u32 s13, $0x1;
	s10 =	sadd.s32 s11, s19  }
0xa7: {  	s20 =	sshll.u32 s12, $0x1;
	s14 =	simm.s32 $0x0;
	s12 =	sadd.s32 s21, s10  }
0xa8: {  	[timem:s14], [sflag:s22] =	dma.local [hbm:s12], s20  }
0xa9: {  	_ =	swait.ge [sflag:s22], s20  }
0xaa: {  	s11 =	ssub.s32 $0x0, s20;
	[sflag:s22] =	ssyncset.done $0x0  }
0xab: {  	[sflag:s22] =	ssyncadd.s32 s11;
	_ =	sdelay $0x1  }
0xac: {  	s23 =	simm.s32 $0x1B8B  }
0xad: {  	_ =	swait.ge [sflag:s23], $0x1  }
0xae: {  	[sflag:s23] =	ssyncset.done $0x0  }
0xaf: {  	s25 =	simm.s32 $0x1B8E;
	s24 =	sld [smem:$0x3FFE];
	[sflag:s23] =	ssyncadd.s32 $0xFFFFFFFF  }
0xb0: {  	s26 =	simm.s32 $execute0_lowered;
	[smem:$0x3FD2] =	sst s25  }
0xb1: {  	s12 =	sshll.u32 s26, $0x1;
	_ =	strace $0x80000046;
	[dreg:$0x1] =	wrdreg $0xFFFFFFFF  }
0xb2: {  	s28 =	simm.s32 $_size_execute0_lowered;
	s10 =	sadd.s32 s10, s12;
	[dreg:$0x0] =	wrdreg $0x0  }
0xb3: {  	s12 =	sshll.u32 s28, $0x1;
	[dreg:$0x2] =	wrdreg s10  }
0xb4: {  	[dreg:$0x3] =	wrdreg s12  }
0xb5: {  	[dreg:$0x4] =	wrdreg $0xC0  }
0xb6: {  	_ =	task [dreg:s14], $0x5FFFF  }
0xb7: {  	[dreg:$0x1] =	wrdreg $0xFFFFFFFF  }
0xb8: {  	[dreg:$0x0] =	wrdreg $0x60  }
0xb9: {  	[dreg:$0x2] =	wrdreg s24  }
0xba: {  	[dreg:$0x3] =	wrdreg s16  }
0xbb: {  	[dreg:$0x4] =	wrdreg s2  }
0xbc: {  	[dreg:$0x5] =	wrdreg s15  }
0xbd: {  	[dreg:$0x6] =	wrdreg s4  }
0xbe: {  	[dreg:$0x7] =	wrdreg s6  }
0xbf: {  	[dreg:$0x8] =	wrdreg s7  }
0xc0: {  	[dreg:$0x9] =	wrdreg s8  }
0xc1: {  	[dreg:$0xa] =	wrdreg s17  }
0xc2: {  	[dreg:$0xb] =	wrdreg $0x9  }
0xc3: {  	_ =	task.clear_ibuf [dreg:s14], $0xCFFFF;
	_ =	strace $0x90000046  }
0xc4: {  	s29 =	simm.s32 $0x9;
	_ =	strace $0x80000048  }
0xc5: {  	_ =	swait.ge [sflag:s29], $0x1  }
0xc6: {  	[sflag:s29] =	ssyncadd.s32 $0xFFFFFFFF  }
0xc7: {  	_ =	strace $0x90000048  }
0xc8: {  	_ =	sfence  }
0xc9: {  	s30 =	sld [smem:$0x0];
	_ =	sdelay $0x2  }
0xca: {  	s31 =	sshll.u32 s1, $0xD;
	s1 =	sshrl.u32 s1, $0x2  }
0xcb: {  	s3 =	sand.u32 $0x4000, s31;
	s1 =	sadd.s32 s1, s30  }
0xcc: {  	s0 =	sor.u32 s3, s0;
	s1 =	sshll.u32 s1, $0x11  }
0xcd: {  	s0 =	sor.u32 s1, s0  }
0xce: {  	s0 =	sadd.s32 $0x8F2B, s0  }
0xcf: {  	[sflag:s0] =	ssyncadd.remote.s32 $0x1  }
0xd0: {  	_ =	sfence.sel $0xFFFF  }
0xd1: {  	[dreg:$0x0] =	wrdreg $0xFFFFFFFF;
	(pc) =	sbr.abs _section_cstart, $3  }
0xd2: {  	[dreg:$0x1] =	wrdreg $0xFFFFFFFF  }
0xd3: {  	_ =	task.clear_ibuf [dreg:s14], $0x2FFFF;
	_ =	strace $0x9FFFFFFF  }
0xd4: {  	(tm) =	ssettm $0x7FFFFFFF  }
0xd5: {  	_ =	shalt  }
tec
execute0_lowered:
.L_overlay_start_1:
0x0: {  	(tag) =	ssettag $0x1  }
0x1: {  	s0 =	rddreg [dreg:$0x0]  }
0x2: {  	s5 =	rddreg [dreg:$0x1]  }
0x3: {  	s7 =	rddreg [dreg:$0x2]  }
0x4: {  	s8 =	rddreg [dreg:$0x3]  }
0x5: {  	s1 =	rddreg [dreg:$0x4]  }
0x6: {  	s2 =	rddreg [dreg:$0x5]  }
0x7: {  	s3 =	rddreg [dreg:$0x6]  }
0x8: {  	s4 =	rddreg [dreg:$0x7]  }
0x9: {  	s9 =	rddreg [dreg:$0x8];
	s6 =	simm.s32 $0x0  }
0xa: {  	s10 =	srdreg.scid;
	s11 =	stileid.u32;
	s15 =	simm.s32 $0x6  }
0xb: {  	s16 =	simm.s32 $0x80;
	s25 =	simm.s32 $0x100;
	s31 =	simm.s32 $0x180  }
0xc: {  	s22 =	simm.s32 $0x5;
	s23 =	simm.s32 $0x1;
	s10 =	sand.u32 $0x1, s10  }
0xd: {  	s24 =	simm.s32 $0x2;
	s11 =	sshll.u32 s11, $0x7;
	s12 =	sshll.u32 s10, $0x6  }
0xe: {  	s28 =	simm.s32 $0x4;
	[smem:$0x7FF] =	sst s6;
	s11 =	sor.u32 s12, s11  }
0xf: {  	s10 =	ssub.s32 $0x2, s10;
	_ =	strace $0x80000047;
	s8 =	sadd.s32 s8, s11  }
0x10: {  	s26 =	sshrl.u32 s10, $0x1;
	s7 =	sadd.s32 s7, s11;
	[dreg:$0xa] =	wrdreg s8  }
0x11: {  	s0 =	sadd.s32 s11, s0;
	s5 =	sadd.s32 s5, s11;
	[dreg:$0xb] =	wrdreg s7  }
0x12: {  	s10 =	ssub.s32 s10, s26;
	s29 =	sadd.s32 $0xA00, s0;
	[dreg:$0xd] =	wrdreg s5  }
0x13: {  	s13 =	sadd.s32 s9, s11;
	s30 =	sadd.s32 $0x1200, s0;
	[dreg:$0xc] =	wrdreg s29  }
0x14: {  	s26 =	simm.s32 $0x3;
	s0 =	sadd.s32 $0x1A00, s0;
	[dreg:$0xe] =	wrdreg s30  }
0x15: {  	s14 =	smax.u32 s10, $0x1;
	s5 =	simm.s32 $0x0;
	[dreg:$0xf] =	wrdreg s0  }
.LBB2_1:
0x16: {  	s0 =	rddreg [dreg:$0xa]  }
0x17: {  	[tilespmem:s6], [sflag:$0x6] =	stream.linear.gather [hbm4b:s0+s6], $0x200, $0x38;
	[tilespmem:$0x1600] =	vst v63  }
0x18: {  	_ =	swait.ge [sflag:s15], $0x200  }
0x19: {  	[sflag:s15] =	ssyncset.done $0x0  }
0x1a: {  	s10 =	simm.s32 $0x800;
	[sflag:s15] =	ssyncadd.s32 $0xFFFFFE00  }
0x1b: {  	[tilespmem:s10], [sflag:$0x1] =	stream.indirect.gather [hbm4b:s1+s16], $0x1, s6, s16, $0xb8;
	[tilespmem:$0x1600] =	vst v63  }
0x1c: {  	s11 =	simm.s32 $0xA00  }
0x1d: {  	[tilespmem:s11], [sflag:$0x1] =	stream.indirect.gather [hbm4b:s2+s16], $0x1, s6, s16, $0xb8;
	[tilespmem:$0x1600] =	vst v63  }
0x1e: {  	s12 =	simm.s32 $0xC00  }
0x1f: {  	[tilespmem:s12], [sflag:$0x1] =	stream.indirect.gather [hbm4b:s3+s16], $0x1, s6, s16, $0xb8;
	[tilespmem:$0x1600] =	vst v63  }
0x20: {  	s17 =	simm.s32 $0xE00  }
0x21: {  	[tilespmem:s17], [sflag:$0x1] =	stream.indirect.gather [hbm4b:s4+s16], $0x1, s6, s16, $0xb8;
	[tilespmem:$0x1600] =	vst v63  }
0x22: {  	s18 =	simm.s32 $0x880  }
0x23: {  	[tilespmem:s18], [sflag:$0x2] =	stream.indirect.gather [hbm4b:s1+s16], $0x1, s16, s16, $0xb8;
	[tilespmem:$0x1600] =	vst v63  }
0x24: {  	s19 =	simm.s32 $0xA80  }
0x25: {  	[tilespmem:s19], [sflag:$0x2] =	stream.indirect.gather [hbm4b:s2+s16], $0x1, s16, s16, $0xb8;
	[tilespmem:$0x1600] =	vst v63  }
0x26: {  	s20 =	simm.s32 $0xC80  }
0x27: {  	[tilespmem:s20], [sflag:$0x2] =	stream.indirect.gather [hbm4b:s3+s16], $0x1, s16, s16, $0xb8;
	[tilespmem:$0x1600] =	vst v63  }
0x28: {  	s21 =	simm.s32 $0xE80  }
0x29: {  	[tilespmem:s21], [sflag:$0x2] =	stream.indirect.gather [hbm4b:s4+s16], $0x1, s16, s16, $0xb8;
	[tilespmem:$0x1600] =	vst v63  }
0x2a: {  	s7 =	simm.s32 $0x900  }
0x2b: {  	[tilespmem:s7], [sflag:$0x3] =	stream.indirect.gather [hbm4b:s1+s16], $0x1, s25, s16, $0xb8;
	[tilespmem:$0x1600] =	vst v63  }
0x2c: {  	s8 =	simm.s32 $0xB00  }
0x2d: {  	[tilespmem:s8], [sflag:$0x3] =	stream.indirect.gather [hbm4b:s2+s16], $0x1, s25, s16, $0xb8;
	[tilespmem:$0x1600] =	vst v63  }
0x2e: {  	s9 =	simm.s32 $0xD00  }
0x2f: {  	[tilespmem:s9], [sflag:$0x3] =	stream.indirect.gather [hbm4b:s3+s16], $0x1, s25, s16, $0xb8;
	[tilespmem:$0x1600] =	vst v63  }
0x30: {  	s10 =	simm.s32 $0xF00  }
0x31: {  	[tilespmem:s10], [sflag:$0x3] =	stream.indirect.gather [hbm4b:s4+s16], $0x1, s25, s16, $0xb8;
	[tilespmem:$0x1600] =	vst v63  }
0x32: {  	s11 =	simm.s32 $0x980  }
0x33: {  	[tilespmem:s11], [sflag:$0x4] =	stream.indirect.gather [hbm4b:s1+s16], $0x1, s31, s16, $0xb8;
	[tilespmem:$0x1600] =	vst v63  }
0x34: {  	s12 =	simm.s32 $0xB80  }
0x35: {  	[tilespmem:s12], [sflag:$0x4] =	stream.indirect.gather [hbm4b:s2+s16], $0x1, s31, s16, $0xb8;
	[tilespmem:$0x1600] =	vst v63  }
0x36: {  	s17 =	simm.s32 $0xD80  }
0x37: {  	[tilespmem:s17], [sflag:$0x4] =	stream.indirect.gather [hbm4b:s3+s16], $0x1, s31, s16, $0xb8;
	[tilespmem:$0x1600] =	vst v63  }
0x38: {  	s18 =	simm.s32 $0xF80  }
0x39: {  	[tilespmem:s18], [sflag:$0x4] =	stream.indirect.gather [hbm4b:s4+s16], $0x1, s31, s16, $0xb8;
	[tilespmem:$0x1600] =	vst v63  }
0x3a: {  	s19 =	rddreg [dreg:$0xb];
	s7 =	simm.s32 $0x200  }
0x3b: {  	[tilespmem:s7], [sflag:$0x5] =	stream.linear.gather [hbm4b:s19+s6], $0x200, $0x38;
	[tilespmem:$0x1600] =	vst v63  }
0x3c: {  	s20 =	rddreg [dreg:$0xc];
	s21 =	simm.s32 $0x400  }
0x3d: {  	[tilespmem:s21], [sflag:$0x5] =	stream.linear.gather [hbm4b:s20+s6], $0x200, $0x38;
	[tilespmem:$0x1600] =	vst v63  }
0x3e: {  	s8 =	rddreg [dreg:$0xd];
	s9 =	simm.s32 $0x600  }
0x3f: {  	[tilespmem:s9], [sflag:$0x5] =	stream.linear.gather [hbm4b:s8+s6], $0x200, $0x38;
	[tilespmem:$0x1600] =	vst v63  }
0x40: {  	_ =	swait.ge [sflag:s22], $0x200  }
0x41: {  	[sflag:s22] =	ssyncset.done $0x0  }
0x42: {  	[sflag:s22] =	ssyncadd.s32 $0xFFFFFE00  }
0x43: {  	_ =	swait.ge [sflag:s22], $0x200  }
0x44: {  	[sflag:s22] =	ssyncset.done $0x0  }
0x45: {  	[sflag:s22] =	ssyncadd.s32 $0xFFFFFE00  }
0x46: {  	_ =	swait.ge [sflag:s22], $0x200  }
0x47: {  	[sflag:s22] =	ssyncset.done $0x0  }
0x48: {  	[sflag:s22] =	ssyncadd.s32 $0xFFFFFE00  }
0x49: {  	_ =	swait.ge [sflag:s23], $0x80  }
0x4a: {  	[sflag:s23] =	ssyncset.done $0x0  }
0x4b: {  	[sflag:s23] =	ssyncadd.s32 $0xFFFFFF80  }
0x4c: {  	_ =	swait.ge [sflag:s23], $0x80  }
0x4d: {  	[sflag:s23] =	ssyncset.done $0x0  }
0x4e: {  	[sflag:s23] =	ssyncadd.s32 $0xFFFFFF80  }
0x4f: {  	_ =	swait.ge [sflag:s23], $0x80  }
0x50: {  	[sflag:s23] =	ssyncset.done $0x0  }
0x51: {  	[sflag:s23] =	ssyncadd.s32 $0xFFFFFF80  }
0x52: {  	_ =	swait.ge [sflag:s23], $0x80  }
0x53: {  	[sflag:s23] =	ssyncset.done $0x0  }
0x54: {  	[sflag:s23] =	ssyncadd.s32 $0xFFFFFF80  }
0x55: {  	_ =	swait.ge [sflag:s24], $0x80  }
0x56: {  	[sflag:s24] =	ssyncset.done $0x0  }
0x57: {  	[sflag:s24] =	ssyncadd.s32 $0xFFFFFF80  }
0x58: {  	_ =	swait.ge [sflag:s24], $0x80  }
0x59: {  	[sflag:s24] =	ssyncset.done $0x0  }
0x5a: {  	[sflag:s24] =	ssyncadd.s32 $0xFFFFFF80  }
0x5b: {  	_ =	swait.ge [sflag:s24], $0x80  }
0x5c: {  	[sflag:s24] =	ssyncset.done $0x0  }
0x5d: {  	[sflag:s24] =	ssyncadd.s32 $0xFFFFFF80  }
0x5e: {  	_ =	swait.ge [sflag:s24], $0x80  }
0x5f: {  	[sflag:s24] =	ssyncset.done $0x0  }
0x60: {  	[sflag:s24] =	ssyncadd.s32 $0xFFFFFF80  }
0x61: {  	_ =	swait.ge [sflag:s26], $0x80  }
0x62: {  	[sflag:s26] =	ssyncset.done $0x0  }
0x63: {  	[sflag:s26] =	ssyncadd.s32 $0xFFFFFF80  }
0x64: {  	_ =	swait.ge [sflag:s26], $0x80  }
0x65: {  	[sflag:s26] =	ssyncset.done $0x0  }
0x66: {  	[sflag:s26] =	ssyncadd.s32 $0xFFFFFF80  }
0x67: {  	_ =	swait.ge [sflag:s26], $0x80  }
0x68: {  	[sflag:s26] =	ssyncset.done $0x0  }
0x69: {  	[sflag:s26] =	ssyncadd.s32 $0xFFFFFF80  }
0x6a: {  	_ =	swait.ge [sflag:s26], $0x80  }
0x6b: {  	[sflag:s26] =	ssyncset.done $0x0  }
0x6c: {  	[sflag:s26] =	ssyncadd.s32 $0xFFFFFF80  }
0x6d: {  	_ =	swait.ge [sflag:s28], $0x80  }
0x6e: {  	[sflag:s28] =	ssyncset.done $0x0  }
0x6f: {  	[sflag:s28] =	ssyncadd.s32 $0xFFFFFF80  }
0x70: {  	_ =	swait.ge [sflag:s28], $0x80  }
0x71: {  	[sflag:s28] =	ssyncset.done $0x0  }
0x72: {  	[sflag:s28] =	ssyncadd.s32 $0xFFFFFF80  }
0x73: {  	_ =	swait.ge [sflag:s28], $0x80  }
0x74: {  	[sflag:s28] =	ssyncset.done $0x0  }
0x75: {  	[sflag:s28] =	ssyncadd.s32 $0xFFFFFF80  }
0x76: {  	_ =	swait.ge [sflag:s28], $0x80  }
0x77: {  	[sflag:s28] =	ssyncset.done $0x0  }
0x78: {  	s10 =	simm.s32 $0xC10;
	[sflag:s28] =	ssyncadd.s32 $0xFFFFFF80  }
0x79: {  	s11 =	simm.s32 $0xA10;
	v0 =	vld [tilespmem:s10+$0xFFFFFFF0]  }
0x7a: {  	s8 =	simm.s32 $0xE10;
	v1 =	vld [tilespmem:s11+$0x0]  }
0x7b: {  	v2 =	vld [tilespmem:s8+$0xFFFFFFF0]  }
0x7c: {  	v3 =	vld [tilespmem:s10+$0x0]  }
0x7d: {  	v4 =	vld [tilespmem:s8+$0x0]  }
0x7e: {  	v0 =	vsub.f32 $0.0e+00, v0  }
0x7f: {  	s12 =	simm.s32 $0x810;
	v1 =	vsub.f32 $0.0e+00, v1  }
0x80: {  	v5 =	vld [tilespmem:s12+$0xFFFFFFF0];
	v2 =	vsub.f32 $0.0e+00, v2;
	v0 =	vmul.f32 $1.442695020e+00, v0  }
0x81: {  	s21 =	simm.s32 $0xA30;
	v6 =	vld [tilespmem:s11+$0xFFFFFFF0];
	v3 =	vsub.f32 $0.0e+00, v3;
	v1 =	vmul.f32 $1.442695020e+00, v1  }
0x82: {  	s9 =	simm.s32 $0xE30;
	v17 =	vld [tilespmem:s21+$0x0];
	(erf) = vpow2.f32 v0;
	v0 =	vmul.f32 $1.442695020e+00, v2;
	v2 =	vsub.f32 $0.0e+00, v4  }
0x83: {  	v18 =	vld [tilespmem:s9+$0xFFFFFFF0];
	v3 =	vmul.f32 $1.442695020e+00, v3;
	(erf) = vpow2.f32 v1  }
0x84: {  	s20 =	simm.s32 $0xC30;
	v1 =	vmul.f32 $1.442695020e+00, v2;
	(erf) = vpow2.f32 v0;
	v0 =	vld [tilespmem:s12+$0x0]  }
0x85: {  	v20 =	vld [tilespmem:s20+$0x0];
	v2 =	vsub.f32 $0.0e+00, v5;
	(erf) = vpow2.f32 v3  }
0x86: {  	s17 =	simm.s32 $0x210;
	(erf) = vpow2.f32 v1  }
0x87: {  	v4 =	vld [tilespmem:s17+$0x0];
	v1 =	vmul.f32 $1.442695020e+00, v2  }
0x88: {  	v17 =	vsub.f32 $0.0e+00, v17;
	v3 =	vsub.f32 $0.0e+00, v6;
	v2 =	vld [tilespmem:s17+$0xFFFFFFF0]  }
0x89: {  	v18 =	vsub.f32 $0.0e+00, v18;
	(erf) = vpow2.f32 v1;
	v0 =	vsub.f32 $0.0e+00, v0  }
0x8a: {  	v20 =	vsub.f32 $0.0e+00, v20;
	v17 =	vmul.f32 $1.442695020e+00, v17;
	v3 =	vmul.f32 $1.442695020e+00, v3  }
0x8b: {  	s19 =	simm.s32 $0x610;
	v18 =	vmul.f32 $1.442695020e+00, v18;
	v1 =	vpop (erf);
	v0 =	vmul.f32 $1.442695020e+00, v0  }
0x8c: {  	v13 =	vld [tilespmem:s19+$0xFFFFFFF0];
	v20 =	vmul.f32 $1.442695020e+00, v20;
	vm1 =	vlt.f32 v4, $0.0e+00;
	(erf) = vpow2.f32 v3;
	v5 =	vpop (erf)  }
0x8d: {  	v14 =	vld [tilespmem:s20+$0xFFFFFFF0];
	vm0 =	vlt.f32 v2, $0.0e+00;
	vm2 =	vgt.f32 v2, $0.0e+00;
	v3 =	vadd.f32 $1.000000000e+00, v1;
	v6 =	vpop (erf)  }
0x8e: {  	s18 =	simm.s32 $0x410;
	vm0 =	vmor vm2, vm0;
	vm2 =	vgt.f32 v4, $0.0e+00;
	v7 =	vadd.f32 $1.000000000e+00, v6;
	v9 =	vpop (erf)  }
0x8f: {  	v8 =	vld [tilespmem:s18+$0xFFFFFFF0];
	(erf) = vpow2.f32 v0;
	v6 =	vmul.f32 v3, v6;
	v10 =	vadd.f32 $1.000000000e+00, v9;
	v0 =	vpop (erf)  }
0x90: {  	v11 =	vld [tilespmem:s19+$0x0];
	vm1 =	vmor vm2, vm1;
	v12 =	vmul.f32 v7, v1;
	v1 =	vadd.f32 $1.000000000e+00, v0  }
0x91: {  	v4 =	vsel vm0, v6, v3;
	v3 =	vmul.f32 v7, v3;
	v2 =	vmul.f32 v10, v0  }
0x92: {  	v15 =	vpop (erf);
	v13 =	vmul.f32 v4, v13;
	v4 =	vsub.f32 $0.0e+00, v14;
	v14 =	vld [tilespmem:s18+$0x0];
	v12 =	vsel vm0, v7, v12  }
0x93: {  	v24 =	vld [tilespmem:s9+$0x0];
	v0 =	vmul.f32 v1, v10;
	v9 =	vmul.f32 v1, v9;
	v15 =	vadd.f32 $1.000000000e+00, v15  }
0x94: {  	v25 =	vmul.f32 $9.999999930e-09, v3;
	v10 =	vsel vm1, v2, v10;
	v4 =	vmul.f32 $1.442695020e+00, v4  }
0x95: {  	v8 =	vmul.f32 v12, v8;
	v10 =	vmul.f32 v10, v11;
	v9 =	vsel vm1, v1, v9;
	v12 =	vpop (erf)  }
0x96: {  	s17 =	simm.s32 $0x830;
	v19 =	vmul.f32 $9.999999930e-09, v0;
	(erf) = vpow2.f32 v4;
	v11 =	vadd.f32 $1.000000000e+00, v12  }
0x97: {  	v16 =	vld [tilespmem:s17+$0xFFFFFFF0];
	v12 =	vmul.f32 v15, v12;
	v9 =	vmul.f32 v9, v14  }
0x98: {  	v24 =	vsub.f32 $0.0e+00, v24;
	v22 =	vpop (erf);
	(erf) = vpow2.f32 v17;
	v21 =	vmul.f32 v11, v15  }
0x99: {  	v11 =	vmul.f32 v8, v11;
	v8 =	vadd.f32 v8, v13;
	v15 =	vadd.f32 $1.000000000e+00, v22;
	v22 =	vld [tilespmem:s21+$0xFFFFFFF0]  }
0x9a: {  	v17 =	vmul.f32 $1.442695020e+00, v24;
	(erf) = vpow2.f32 v18;
	v18 =	vadd.f32 v9, v10  }
0x9b: {  	v4 =	vmul.f32 v8, v21;
	v14 =	vadd.f32 v8, v25;
	v8 =	vmul.f32 v13, v12  }
0x9c: {  	v16 =	vsub.f32 $0.0e+00, v16;
	v23 =	vadd.f32 $1.000000000e+00, v5;
	(erf) = vpow2.f32 v20;
	v12 =	vld [tilespmem:s17+$0x0]  }
0x9d: {  	(erf) = vpow2.f32 v17;
	v8 =	vadd.f32 v11, v8;
	v11 =	vadd.f32 v18, v19  }
0x9e: {  	s20 =	simm.s32 $0x230;
	v19 =	vmul.f32 v23, v15;
	v13 =	vsub.f32 $0.0e+00, v22;
	v22 =	vmul.f32 v9, v23  }
0x9f: {  	v26 =	vld [tilespmem:s20+$0xFFFFFFF0];
	v9 =	vmul.f32 v14, v21;
	v14 =	vmul.f32 $1.442695020e+00, v16  }
0xa0: {  	v16 =	vsub.f32 v4, v8;
	v25 =	vmul.f32 v8, v6;
	v11 =	vmul.f32 v11, v19  }
0xa1: {  	v20 =	vld [tilespmem:s20+$0x0];
	v13 =	vmul.f32 $1.442695020e+00, v13;
	v17 =	vmul.f32 v9, v3;
	v12 =	vsub.f32 $0.0e+00, v12  }
0xa2: {  	(erf) = vpow2.f32 v14;
	v27 =	vmul.f32 v16, v7  }
0xa3: {  	v21 =	vpop (erf);
	v12 =	vmul.f32 $1.442695020e+00, v12;
	(erf) = vrcp.f32 v17  }
0xa4: {  	vm3 =	vgt.f32 v26, $0.0e+00;
	v6 =	vpop (erf);
	v11 =	vmul.f32 v11, v0;
	(erf) = vpow2.f32 v13  }
0xa5: {  	vm0 =	vlt.f32 v26, $0.0e+00;
	v7 =	vpop (erf);
	(erf) = vpow2.f32 v12;
	v12 =	vmul.f32 v15, v5  }
0xa6: {  	vm1 =	vlt.f32 v20, $0.0e+00;
	vm2 =	vgt.f32 v20, $0.0e+00;
	v5 =	vadd.f32 $1.000000000e+00, v7  }
0xa7: {  	s7 =	simm.s32 $0x430;
	v9 =	vadd.f32 $1.000000000e+00, v21;
	v20 =	vpop (erf);
	(erf) = vrcp.f32 v11;
	v13 =	vmul.f32 v10, v12  }
0xa8: {  	s9 =	simm.s32 $0x630;
	vm3 =	vmor vm3, vm0;
	v16 =	vld [tilespmem:s7+$0xFFFFFFF0];
	v24 =	vadd.f32 $1.000000000e+00, v20;
	v11 =	vpop (erf);
	v14 =	vmul.f32 v5, v21  }
0xa9: {  	v7 =	vmul.f32 v9, v7;
	v10 =	vadd.f32 $1.000000000e+00, v11;
	v15 =	vadd.f32 v22, v13;
	v13 =	vld [tilespmem:s9+$0x0]  }
0xaa: {  	s30 =	simm.s32 $0x1210;
	v12 =	vmul.f32 v24, v11;
	v11 =	vmul.f32 v18, v19;
	v18 =	vsel vm3, v5, v14  }
0xab: {  	s29 =	simm.s32 $0x1230;
	s0 =	simm.s32 $0x1410;
	s8 =	simm.s32 $0x2;
	vm0 =	vmor vm2, vm1;
	v17 =	vsel vm3, v7, v9  }
0xac: {  	s19 =	simm.s32 $0x1030;
	s10 =	simm.s32 $0xE50;
	s11 =	simm.s32 $0xC50;
	v14 =	vmul.f32 v10, v24;
	v24 =	vsel vm0, v12, v24;
	v22 =	vmul.f32 v10, v20;
	v23 =	vpop (erf)  }
0xad: {  	s12 =	simm.s32 $0xA50;
	s18 =	simm.s32 $0x1410;
	s21 =	simm.s32 $0x1010;
	v19 =	vld [tilespmem:s9+$0xFFFFFFF0];
	v20 =	vadd.f32 v27, v25;
	v16 =	vmul.f32 v18, v16;
	v21 =	vsub.f32 v11, v15;
	v18 =	vpop (erf)  }
.LBB2_2:
0xae: {  	v25 =	vld [tilespmem:s11+$0xFFFFFFF0];
	s8 =	sadd.s32 $0x2, s8;
	v23 =	vadd.f32 $1.000000000e+00, v23;
	v13 =	vmul.f32 v24, v13;
	s17 =	sadd.s32 $0x20, s17;
	v24 =	vpop (erf);
	v2 =	vmul.f32 v15, v2;
	s18 =	sadd.s32 $0x20, s18  }
0xaf: {  	v26 =	vld [tilespmem:s12+$0xFFFFFFF0];
	p0 =	slt.u32 s8, $0x1E;
	v27 =	vadd.f32 $1.000000000e+00, v24;
	v28 =	vpop (erf);
	v20 =	vmul.f32 v18, v20;
	v34 =	vmul.f32 v21, v1  }
0xb0: {  	v29 =	vmul.f32 $9.999999930e-09, v14;
	v22 =	vsel vm0, v10, v22;
	v18 =	vmul.f32 v18, v3;
	v21 =	vld [tilespmem:s17+$0xFFFFFFF0];
	v30 =	vpop (erf)  }
0xb1: {  	v1 =	vmovc v10;
	v31 =	vld [tilespmem:s12+$0x0];
	v32 =	vmul.f32 v27, v23;
	v27 =	vmul.f32 v16, v27;
	v33 =	vadd.f32 v34, v2  }
0xb2: {  	v34 =	vmul.f32 v30, v0;
	v0 =	vmovc v14;
	v10 =	vld [tilespmem:s17+$0x0];
	v17 =	vmul.f32 v17, v19;
	v19 =	vadd.f32 $1.000000000e+00, v6;
	v2 =	vmovc v12  }
0xb3: {  	v3 =	vmul.f32 v5, v9;
	v12 =	vsub.f32 $0.0e+00, v25;
	v14 =	vld [tilespmem:s10+$0xFFFFFFF0];
	v9 =	vmul.f32 v30, v33  }
0xb4: {  	v23 =	vmul.f32 v23, v24;
	v24 =	vmul.f32 v18, v4;
	v25 =	vld [tilespmem:s11+$0x0];
	v16 =	vadd.f32 v16, v17  }
0xb5: {  	v8 =	vmul.f32 v18, v8;
	v4 =	vmul.f32 $1.442695020e+00, v12;
	v12 =	vadd.f32 $1.000000000e+00, v28;
	v28 =	vld [tilespmem:s7+$0x0]  }
0xb6: {  	s20 =	sadd.s32 $0x20, s20;
	v15 =	vmul.f32 v34, v15;
	v18 =	vsub.f32 $0.0e+00, v31;
	v30 =	vld [tilespmem:s10+$0x0];
	v31 =	vmul.f32 $9.999999930e-09, v3  }
0xb7: {  	v11 =	vmul.f32 v34, v11;
	v21 =	vsub.f32 $0.0e+00, v21;
	v33 =	vld [tilespmem:s20+$0xFFFFFFF0];
	(erf) = vpow2.f32 v4;
	[tilespmem:s30+$0xFFFFFFF0] =	vst v8  }
0xb8: {  	v4 =	vmul.f32 v16, v32;
	v8 =	vsub.f32 v24, v8;
	v14 =	vsub.f32 $0.0e+00, v14;
	[tilespmem:s30+$0x0] =	vst v15;
	s30 =	smov.u32 s29  }
0xb9: {  	v18 =	vmul.f32 $1.442695020e+00, v18;
	v16 =	vadd.f32 v16, v31;
	v24 =	vsub.f32 $0.0e+00, v25  }
0xba: {  	v25 =	vsub.f32 $0.0e+00, v26;
	v14 =	vmul.f32 $1.442695020e+00, v14;
	[tilespmem:s21+$0xFFFFFFF0] =	vst v8;
	v8 =	vsub.f32 v11, v15  }
0xbb: {  	v22 =	vmul.f32 v22, v28;
	v11 =	vmul.f32 $1.442695020e+00, v24;
	v15 =	vsub.f32 $0.0e+00, v30;
	[tilespmem:s0+$0xFFFFFFF0] =	vst v20  }
0xbc: {  	v17 =	vmul.f32 v17, v23;
	vm0 =	vlt.f32 v33, $0.0e+00;
	(erf) = vpow2.f32 v18;
	[tilespmem:s21+$0x0] =	vst v8;
	s21 =	smov.u32 s19  }
0xbd: {  	v15 =	vmul.f32 $1.442695020e+00, v15;
	(erf) = vpow2.f32 v14;
	v14 =	vadd.f32 v22, v13;
	[tilespmem:s0+$0x0] =	vst v9;
	s0 =	smov.u32 s18  }
0xbe: {  	v8 =	vadd.f32 v27, v17;
	v20 =	vmul.f32 v22, v19;
	v18 =	vld [tilespmem:s20+$0x0];
	(erf) = vpow2.f32 v11  }
0xbf: {  	v11 =	vmul.f32 v16, v32;
	(erf) = vpow2.f32 v15;
	v15 =	vadd.f32 v14, v29  }
0xc0: {  	s9 =	sadd.s32 $0x20, s9;
	v19 =	vmul.f32 v19, v12;
	v16 =	vmul.f32 $1.442695020e+00, v21;
	v17 =	vsub.f32 v4, v8;
	v21 =	vpop (erf)  }
0xc1: {  	s7 =	sadd.s32 $0x20, s7;
	v22 =	vmul.f32 $1.442695020e+00, v25;
	v11 =	vmul.f32 v11, v3;
	v9 =	vadd.f32 $1.000000000e+00, v21  }
0xc2: {  	v10 =	vsub.f32 $0.0e+00, v10;
	v25 =	vmul.f32 v8, v7;
	(erf) = vpow2.f32 v16  }
0xc3: {  	v26 =	vmul.f32 v17, v5;
	v5 =	vmul.f32 v15, v19;
	vm1 =	vlt.f32 v18, $0.0e+00  }
0xc4: {  	v7 =	vmul.f32 $1.442695020e+00, v10;
	(erf) = vrcp.f32 v11  }
0xc5: {  	vm2 =	vgt.f32 v18, $0.0e+00;
	v10 =	vmul.f32 v5, v0;
	(erf) = vpow2.f32 v22;
	v11 =	vpop (erf)  }
0xc6: {  	v23 =	vmul.f32 v12, v6;
	vm3 =	vgt.f32 v33, $0.0e+00;
	v15 =	vpop (erf);
	(erf) = vpow2.f32 v7  }
0xc7: {  	v5 =	vadd.f32 $1.000000000e+00, v15;
	v7 =	vmul.f32 v9, v15;
	v16 =	vld [tilespmem:s7+$0xFFFFFFF0];
	v18 =	vpop (erf);
	(erf) = vrcp.f32 v10  }
0xc8: {  	vm3 =	vmor vm3, vm0;
	v15 =	vmul.f32 v13, v23;
	v22 =	vadd.f32 $1.000000000e+00, v18;
	v12 =	vpop (erf)  }
.Ltmp0:
0xc9: {  	v6 =	vmovc v11;
	v17 =	vsel vm3, v7, v9;
	v21 =	vmul.f32 v5, v21;
	v10 =	vadd.f32 $1.000000000e+00, v12;
	v13 =	vld [tilespmem:s9+$0x0];
	(pc) =	sbr.rel @p0 .LBB2_2-.Ltmp0, $4  }
0xca: {  	vm0 =	vmor vm2, vm1;
	v11 =	vmul.f32 v14, v19;
	v12 =	vmul.f32 v22, v12  }
0xcb: {  	v15 =	vadd.f32 v20, v15;
	v19 =	vsel vm3, v5, v21;
	v14 =	vmul.f32 v10, v22;
	v23 =	vpop (erf)  }
0xcc: {  	s29 =	sadd.s32 $0x20, s29;
	s19 =	sadd.s32 $0x20, s19;
	v16 =	vmul.f32 v19, v16;
	v24 =	vsel vm0, v12, v22  }
0xcd: {  	s12 =	sadd.s32 $0x20, s12;
	s11 =	sadd.s32 $0x20, s11;
	s10 =	sadd.s32 $0x20, s10;
	v20 =	vadd.f32 v26, v25;
	v21 =	vsub.f32 v11, v15;
	v22 =	vmul.f32 v10, v18;
	v19 =	vld [tilespmem:s9+$0xFFFFFFF0];
	v18 =	vpop (erf)  }
0xce: {  	v25 =	vld [tilespmem:s7+$0x0];
	_ =	sdelay $0x2  }
0xcf: {  	v23 =	vadd.f32 $1.000000000e+00, v23  }
0xd0: {  	v9 =	vmul.f32 v5, v9;
	v22 =	vsel vm0, v10, v22;
	v17 =	vmul.f32 v17, v19  }
0xd1: {  	v26 =	vpop (erf);
	v13 =	vmul.f32 v24, v13;
	v37 =	vadd.f32 $1.000000000e+00, v6;
	v22 =	vmul.f32 v22, v25  }
0xd2: {  	v63 =	vadd.f32 $1.000000000e+00, v26;
	v36 =	vpop (erf);
	v28 =	vmul.f32 $9.999999930e-09, v9;
	v27 =	vadd.f32 v16, v17  }
0xd3: {  	v29 =	vmul.f32 $9.999999930e-09, v14;
	v24 =	vadd.f32 $1.000000000e+00, v36;
	v30 =	vadd.f32 v22, v13  }
0xd4: {  	v31 =	vmul.f32 v63, v23;
	v28 =	vadd.f32 v27, v28  }
0xd5: {  	v32 =	vmul.f32 v37, v24;
	v29 =	vadd.f32 v30, v29  }
0xd6: {  	v28 =	vmul.f32 v28, v31  }
0xd7: {  	v29 =	vmul.f32 v29, v32  }
0xd8: {  	v38 =	vmul.f32 v28, v9  }
0xd9: {  	v2 =	vmul.f32 v15, v2;
	v39 =	vmul.f32 v29, v14  }
0xda: {  	v3 =	vmul.f32 v18, v3;
	(erf) = vrcp.f32 v38  }
0xdb: {  	v1 =	vmul.f32 v21, v1;
	(erf) = vrcp.f32 v39  }
0xdc: {  	v20 =	vmul.f32 v18, v20;
	v42 =	vmul.f32 v23, v26  }
0xdd: {  	v4 =	vmul.f32 v3, v4;
	v3 =	vmul.f32 v3, v8  }
0xde: {  	v41 =	vpop (erf);
	v40 =	vmul.f32 v16, v63;
	v44 =	vmul.f32 v24, v6  }
0xdf: {  	v1 =	vadd.f32 v1, v2;
	v0 =	vmul.f32 v41, v0;
	v43 =	vmul.f32 v17, v42  }
0xe0: {  	[tilespmem:s30+$0xFFFFFFF0] =	vst v3;
	v3 =	vsub.f32 v4, v3;
	v6 =	vmul.f32 v13, v44;
	v47 =	vmul.f32 v22, v37  }
0xe1: {  	v1 =	vmul.f32 v41, v1;
	v46 =	vmul.f32 v27, v31;
	v2 =	vadd.f32 v40, v43  }
0xe2: {  	v45 =	vmul.f32 v0, v15;
	v0 =	vmul.f32 v0, v11;
	v6 =	vadd.f32 v47, v6  }
0xe3: {  	[tilespmem:s21+$0xFFFFFFF0] =	vst v3;
	v49 =	vmul.f32 v30, v32;
	v48 =	vsub.f32 v46, v2;
	v7 =	vmul.f32 v2, v7;
	v50 =	vpop (erf)  }
0xe4: {  	[tilespmem:s30+$0x0] =	vst v45;
	v0 =	vsub.f32 v0, v45;
	v55 =	vmul.f32 v6, v12;
	v52 =	vmul.f32 v50, v9;
	v53 =	vpop (erf)  }
0xe5: {  	[tilespmem:s0+$0xFFFFFFF0] =	vst v20;
	v54 =	vsub.f32 v49, v6;
	v51 =	vmul.f32 v48, v5;
	v56 =	vmul.f32 v53, v14  }
0xe6: {  	[tilespmem:s21+$0x0] =	vst v0;
	v57 =	vmul.f32 v52, v46;
	v2 =	vmul.f32 v52, v2  }
0xe7: {  	[tilespmem:s0+$0x0] =	vst v1;
	v59 =	vmul.f32 v54, v10;
	v58 =	vadd.f32 v51, v7;
	v60 =	vmul.f32 v56, v6  }
0xe8: {  	v61 =	vmul.f32 v56, v49;
	[tilespmem:s29+$0xFFFFFFF0] =	vst v2;
	v0 =	vsub.f32 v57, v2  }
0xe9: {  	v62 =	vadd.f32 v59, v55;
	v1 =	vmul.f32 v50, v58;
	[tilespmem:s29+$0x0] =	vst v60  }
0xea: {  	s18 =	sadd.s32 $0x20, s18;
	v63 =	vsub.f32 v61, v60;
	[tilespmem:s19+$0xFFFFFFF0] =	vst v0  }
0xeb: {  	v2 =	vmul.f32 v53, v62;
	[tilespmem:s18+$0xFFFFFFF0] =	vst v1  }
0xec: {  	[tilespmem:s19+$0x0] =	vst v63  }
0xed: {  	[tilespmem:s18+$0x0] =	vst v2  }
0xee: {  	s20 =	simm.s32 $0x1000;
	s0 =	rddreg [dreg:$0xe]  }
0xef: {  	[hbm4b:s0+s6] =	stream.linear.scatter [tilespmem:s20], [sflag:$0x5], $0x200, $0x38;
	[tilespmem:$0x1600] =	vst v63  }
0xf0: {  	s29 =	simm.s32 $0x1200;
	s21 =	rddreg [dreg:$0xf]  }
0xf1: {  	[hbm4b:s21+s6] =	stream.linear.scatter [tilespmem:s29], [sflag:$0x5], $0x200, $0x38;
	[tilespmem:$0x1600] =	vst v63  }
0xf2: {  	s30 =	simm.s32 $0x1400  }
0xf3: {  	[hbm4b:s13+s6] =	stream.linear.scatter [tilespmem:s30], [sflag:$0x5], $0x200, $0x38;
	[tilespmem:$0x1600] =	vst v63  }
0xf4: {  	_ =	swait.ge [sflag:s22], $0x200  }
0xf5: {  	[sflag:s22] =	ssyncset.done $0x0  }
0xf6: {  	s5 =	sadd.s32 $0x1, s5;
	[sflag:s22] =	ssyncadd.s32 $0xFFFFFE00  }
0xf7: {  	p0 =	sne.s32 s5, s14;
	_ =	swait.ge [sflag:s22], $0x200  }
.Ltmp1:
0xf8: {  	[sflag:s22] =	ssyncset.done $0x0;
	(pc) =	sbr.rel @p0 .LBB2_1-.Ltmp1, $4  }
0xf9: {  	[sflag:s22] =	ssyncadd.s32 $0xFFFFFE00  }
0xfa: {  	_ =	swait.ge [sflag:s22], $0x200  }
0xfb: {  	[sflag:s22] =	ssyncset.done $0x0  }
0xfc: {  	[sflag:s22] =	ssyncadd.s32 $0xFFFFFE00  }
0xfd: {  	_ =	sfence.sel $0x180000  }
0xfe: {  	[bflag:$0x0] =	sbarrier.arrive $0xFFFF  }
0xff: {  	_ =	strace $0x90000047  }
0x100: {  	s0 =	stileid.u32;
	[bflag:$0x2] =	sbarrier.arrive $0xFFFF  }
0x101: {  	p0 =	sne.s32 s0, $0x0;
	s0 =	rddreg [dreg:$0x9]  }
0x102: {  	s0 =	sadd.s32 @!p0 $0x100000, s0  }
0x103: {  	[sflag:s0] =	ssyncadd.tile.s32 @!p0 $0x1;
	_ =	shalt  }
.Lfunc_end2:
_tile_overlayer_lowered:
.L_overlay_start_2:
0x104: {  	(tag) =	ssettag $0x2  }
0x105: {  	s0 =	rddreg [dreg:$0x0];
	s2 =	stileid.u32  }
0x106: {  	s1 =	rddreg [dreg:$0x1];
	p0 =	sne.s32 s2, $0x0  }
0x107: {  	s3 =	rddreg [dreg:$0x2];
	[bflag:$0x3] =	sbarrier.arrive $0xFFFF;
	s2 =	simm.s32 @!p0 $0x1C06  }
0x108: {  	[timem:s3], [sflag:s2] =	dma.local @!p0 [hbm:s0], s1  }
0x109: {  	s0 =	simm.s32 @!p0 $0x6  }
0x10a: {  	_ =	swait.ge @!p0 [sflag:s0], s1  }
0x10b: {  	s1 =	ssub.s32 @!p0 $0x0, s1;
	[sflag:s0] =	ssyncset.done @!p0 $0x0  }
0x10c: {  	[sflag:s0] =	ssyncadd.s32 @!p0 s1  }
0x10d: {  	[bflag:$0x3] =	sbarrier.arrive $0xFFFF  }
0x10e: {  	_ =	shalt  }

</sc_bundles>
